<compile_context>
chip_gen: v7x
topology: tpu7x:2x2x1
jax: 0.10.2.dev20260603
libtpu: 0.0.44.dev20260713+nightly
codegen_flags: <defaults>
</compile_context>

<pallas_src>
import functools

import jax
import jax.numpy as jnp
from jax import lax
from jax.experimental import pallas as pl
from jax.experimental.pallas import tpu as pltpu
from jax.experimental.pallas import tpu_sc as plsc

BATCH = 4096
SEQ = 50
DIM = 64
PD = 128
B = BATCH * SEQ
NC = 2
NS = 16
NW = NC * NS
CPW = BATCH // NW
CH = 64
NCH = SEQ * CPW // CH
G = 5
NGROUPS = NCH // G

_mesh = plsc.VectorSubcoreMesh(
    core_axis_name="c", subcore_axis_name="s", num_cores=NC, num_subcores=NS
)


@functools.partial(
    pl.kernel,
    out_type=jax.ShapeDtypeStruct((B, PD), jnp.float32),
    mesh=_mesh,
    scratch_types=[
        pltpu.VMEM((SEQ, CPW), jnp.int32),
        pltpu.VMEM((2 * G, CH, PD), jnp.float32),
        pltpu.SemaphoreType.DMA,
        pltpu.SemaphoreType.DMA,
    ],
)
def _emb_lookup(idx_hbm, table_hbm, out_hbm, idx_v, rows_v, gsem, ssem):
    wid = lax.axis_index("s") * NC + lax.axis_index("c")
    col = wid * CPW
    pltpu.sync_copy(idx_hbm.at[:, pl.ds(col, CPW)], idx_v)

    def idx_slice(c):
        return idx_v.at[c // 2, pl.ds((c % 2) * CH, CH)]

    def out_rows(c):
        return (c // 2) * BATCH + col + (c % 2) * CH

    for b in range(G):
        pltpu.async_copy(table_hbm.at[idx_slice(b)], rows_v.at[b], gsem)

    @pl.loop(0, NGROUPS)
    def _(k):
        bank = lax.rem(k, 2) * G
        nbank = G - bank

        for b in range(G):
            pltpu.make_async_copy(
                table_hbm.at[idx_slice(0)], rows_v.at[0], gsem
            ).wait()

        @pl.when(k >= 1)
        def _():
            for b in range(G):
                pltpu.make_async_copy(
                    rows_v.at[0], out_hbm.at[pl.ds(col, CH)], ssem
                ).wait()

        @pl.when(k + 1 < NGROUPS)
        def _():
            for b in range(G):
                pltpu.async_copy(
                    table_hbm.at[idx_slice((k + 1) * G + b)],
                    rows_v.at[nbank + b],
                    gsem,
                )

        for b in range(G):
            pltpu.async_copy(
                rows_v.at[bank + b],
                out_hbm.at[pl.ds(out_rows(k * G + b), CH)],
                ssem,
            )

    for b in range(G):
        pltpu.make_async_copy(
            rows_v.at[0], out_hbm.at[pl.ds(col, CH)], ssem
        ).wait()


def kernel(token_ids, table):
    idx_t = token_ids.T.astype(jnp.int32)
    tpad = jnp.pad(table, ((0, 0), (0, PD - DIM)))
    out = _emb_lookup(idx_t, tpad)
    return out[:, :DIM].reshape(SEQ, BATCH, DIM).transpose(1, 0, 2)

# --- scband reference (transcript-rebuilt; emitter-appended) ---
"""Pipeline reference for scband-static-embedding-80066780332317 (READ-ONLY COPY).

The authoritative reference and input builder live on the scoring server;
editing this copy changes nothing except your own understanding.
"""

import jax, jax.numpy as jnp
import numpy as np

VOCAB = 1000000
DIM = 64
BATCH = 4096
SEQ = 50


def setup_inputs(seed: int = 0) -> dict:
    key = jax.random.key(seed)
    k_idx, k_tab = jax.random.split(key)
    token_ids = jax.random.randint(k_idx, (BATCH, SEQ), 0, VOCAB, dtype=jnp.int64 if jax.config.jax_enable_x64 else jnp.int32)
    table = jax.random.normal(k_tab, (VOCAB, DIM), dtype=jnp.float32)
    return {"token_ids": token_ids, "table": table}


def reference(token_ids, table):
    # nn.Embedding lookup: gather rows of the table
    rep = jnp.take(table, token_ids, axis=0)
    # dropout(p=0.0) / eval mode -> identity
    return rep

if __name__ == "__main__":
    import jax
    _d = setup_inputs()
    print(jax.jit(kernel)(*tuple(_d.values())))

</pallas_src>

<mosaic_0001>
#map = affine_map<(d0, d1) -> (0, 0)>
module attributes {stable_mosaic.version = 14 : i64} {
  func.func @_emb_lookup(%arg0: i32, %arg1: i32, %arg2: memref<50x4096xi32, #tpu.memory_space<hbm>>, %arg3: memref<1000000x128xf32, #tpu.memory_space<hbm>>, %arg4: memref<204800x128xf32, #tpu.memory_space<hbm>>, %arg5: memref<50x128xi32, #tpu.memory_space<vmem>>, %arg6: memref<10x64x128xf32, #tpu.memory_space<vmem>>, %arg7: memref<!tpu.dma_semaphore, #tpu.memory_space<semaphore_mem>>, %arg8: memref<!tpu.dma_semaphore, #tpu.memory_space<semaphore_mem>>) attributes {dimension_semantics = [#tpu.dimension_semantics<core_parallel>, #tpu.dimension_semantics<subcore_parallel>], iteration_bounds = array<i64: 2, 16>, scalar_prefetch = 0 : i64, scratch_operands = 4 : i64, tpu.core_type = #tpu.core_type<sc_vector_subcore>, window_params = [{transform_indices = #map}, {transform_indices = #map}, {transform_indices = #map}]} {
    %mul3A = arith.constant 2 : i32
    %mul3A_0 = arith.muli %arg1, %mul3A : i32
    %add3A = arith.addi %mul3A_0, %arg0 : i32
    %mul3A_1 = arith.constant 128 : i32
    %mul3A_2 = arith.muli %add3A, %mul3A_1 : i32
    "tpu.region"() ({
      %run_scoped3A = tpu.sem_alloc : memref<!tpu.dma_semaphore, #tpu.memory_space<semaphore_mem>>
      %dma_start3A_130 = arith.constant 0 : i32
      %dma_start3A_131 = tpu.memref_slice %arg2[%dma_start3A_130, %mul3A_2] : memref<50x4096xi32, #tpu.memory_space<hbm>> -> memref<50x128xi32, #tpu.memory_space<hbm>>
      %dma_start3A_132 = arith.constant 0 : i32
      %dma_start3A_133 = tpu.memref_slice %arg2[%dma_start3A_132, %mul3A_2] : memref<50x4096xi32, #tpu.memory_space<hbm>> -> memref<50x128xi32, #tpu.memory_space<hbm>>
      tpu.enqueue_dma source(%dma_start3A_133 : memref<50x128xi32, #tpu.memory_space<hbm>>) target(%arg5 : memref<50x128xi32, #tpu.memory_space<vmem>>) target_semaphore(%run_scoped3A : memref<!tpu.dma_semaphore, #tpu.memory_space<semaphore_mem>>)
      %dma_wait3A_134 = arith.constant 0 : i32
      %dma_wait3A_135 = tpu.memref_slice %arg2[%dma_wait3A_134, %mul3A_2] : memref<50x4096xi32, #tpu.memory_space<hbm>> -> memref<50x128xi32, #tpu.memory_space<hbm>>
      %dma_wait3A_136 = arith.constant 0 : i32
      %dma_wait3A_137 = tpu.memref_slice %arg2[%dma_wait3A_136, %mul3A_2] : memref<50x4096xi32, #tpu.memory_space<hbm>> -> memref<50x128xi32, #tpu.memory_space<hbm>>
      tpu.wait_dma2 semaphore(%run_scoped3A : memref<!tpu.dma_semaphore, #tpu.memory_space<semaphore_mem>>) src(%dma_wait3A_137 : memref<50x128xi32, #tpu.memory_space<hbm>>) dst(%arg5 : memref<50x128xi32, #tpu.memory_space<vmem>>)
      tpu.yield
    }) : () -> ()
    %dma_start3A = arith.constant 0 : i32
    %dma_start3A_3 = arith.constant 0 : i32
    %dma_start3A_4 = arith.constant 0 : i32
    %dma_start3A_5 = arith.constant 0 : i32
    %dma_start3A_6 = tpu.memref_slice %arg6[%dma_start3A_3, %dma_start3A_4, %dma_start3A_5] : memref<10x64x128xf32, #tpu.memory_space<vmem>> -> memref<1x64x128xf32, #tpu.memory_space<vmem>>
    %dma_start3A_7 = tpu.memref_squeeze %dma_start3A_6 : memref<1x64x128xf32, #tpu.memory_space<vmem>> -> memref<64x128xf32, #tpu.memory_space<vmem>>
    %dma_start3A_8 = arith.constant 0 : i32
    %dma_start3A_9 = tpu.memref_slice %arg5[%dma_start3A, %dma_start3A_8] : memref<50x128xi32, #tpu.memory_space<vmem>> -> memref<1x64xi32, #tpu.memory_space<vmem>>
    %dma_start3A_10 = tpu.memref_squeeze %dma_start3A_9 : memref<1x64xi32, #tpu.memory_space<vmem>> -> memref<64xi32, #tpu.memory_space<vmem>>
    %dma_start3A_11 = arith.constant 0 : i32
    %dma_start3A_12 = arith.constant 0 : i32
    %dma_start3A_13 = tpu.memref_slice %arg3[%dma_start3A_11, %dma_start3A_12] : memref<1000000x128xf32, #tpu.memory_space<hbm>> -> memref<1000000x128xf32, #tpu.memory_space<hbm>>
    tpu.enqueue_indirect_dma source(%dma_start3A_13 : memref<1000000x128xf32, #tpu.memory_space<hbm>>) target(%dma_start3A_7 : memref<64x128xf32, #tpu.memory_space<vmem>>) offsets(%dma_start3A_10 : memref<64xi32, #tpu.memory_space<vmem>>) semaphore(%arg7 : memref<!tpu.dma_semaphore, #tpu.memory_space<semaphore_mem>>)
    %dma_start3A_14 = arith.constant 0 : i32
    %dma_start3A_15 = arith.constant 1 : i32
    %dma_start3A_16 = arith.constant 0 : i32
    %dma_start3A_17 = arith.constant 0 : i32
    %dma_start3A_18 = tpu.memref_slice %arg6[%dma_start3A_15, %dma_start3A_16, %dma_start3A_17] : memref<10x64x128xf32, #tpu.memory_space<vmem>> -> memref<1x64x128xf32, #tpu.memory_space<vmem>>
    %dma_start3A_19 = tpu.memref_squeeze %dma_start3A_18 : memref<1x64x128xf32, #tpu.memory_space<vmem>> -> memref<64x128xf32, #tpu.memory_space<vmem>>
    %dma_start3A_20 = arith.constant 64 : i32
    %dma_start3A_21 = tpu.memref_slice %arg5[%dma_start3A_14, %dma_start3A_20] : memref<50x128xi32, #tpu.memory_space<vmem>> -> memref<1x64xi32, #tpu.memory_space<vmem>>
    %dma_start3A_22 = tpu.memref_squeeze %dma_start3A_21 : memref<1x64xi32, #tpu.memory_space<vmem>> -> memref<64xi32, #tpu.memory_space<vmem>>
    %dma_start3A_23 = arith.constant 0 : i32
    %dma_start3A_24 = arith.constant 0 : i32
    %dma_start3A_25 = tpu.memref_slice %arg3[%dma_start3A_23, %dma_start3A_24] : memref<1000000x128xf32, #tpu.memory_space<hbm>> -> memref<1000000x128xf32, #tpu.memory_space<hbm>>
    tpu.enqueue_indirect_dma source(%dma_start3A_25 : memref<1000000x128xf32, #tpu.memory_space<hbm>>) target(%dma_start3A_19 : memref<64x128xf32, #tpu.memory_space<vmem>>) offsets(%dma_start3A_22 : memref<64xi32, #tpu.memory_space<vmem>>) semaphore(%arg7 : memref<!tpu.dma_semaphore, #tpu.memory_space<semaphore_mem>>)
    %dma_start3A_26 = arith.constant 1 : i32
    %dma_start3A_27 = arith.constant 2 : i32
    %dma_start3A_28 = arith.constant 0 : i32
    %dma_start3A_29 = arith.constant 0 : i32
    %dma_start3A_30 = tpu.memref_slice %arg6[%dma_start3A_27, %dma_start3A_28, %dma_start3A_29] : memref<10x64x128xf32, #tpu.memory_space<vmem>> -> memref<1x64x128xf32, #tpu.memory_space<vmem>>
    %dma_start3A_31 = tpu.memref_squeeze %dma_start3A_30 : memref<1x64x128xf32, #tpu.memory_space<vmem>> -> memref<64x128xf32, #tpu.memory_space<vmem>>
    %dma_start3A_32 = arith.constant 0 : i32
    %dma_start3A_33 = tpu.memref_slice %arg5[%dma_start3A_26, %dma_start3A_32] : memref<50x128xi32, #tpu.memory_space<vmem>> -> memref<1x64xi32, #tpu.memory_space<vmem>>
    %dma_start3A_34 = tpu.memref_squeeze %dma_start3A_33 : memref<1x64xi32, #tpu.memory_space<vmem>> -> memref<64xi32, #tpu.memory_space<vmem>>
    %dma_start3A_35 = arith.constant 0 : i32
    %dma_start3A_36 = arith.constant 0 : i32
    %dma_start3A_37 = tpu.memref_slice %arg3[%dma_start3A_35, %dma_start3A_36] : memref<1000000x128xf32, #tpu.memory_space<hbm>> -> memref<1000000x128xf32, #tpu.memory_space<hbm>>
    tpu.enqueue_indirect_dma source(%dma_start3A_37 : memref<1000000x128xf32, #tpu.memory_space<hbm>>) target(%dma_start3A_31 : memref<64x128xf32, #tpu.memory_space<vmem>>) offsets(%dma_start3A_34 : memref<64xi32, #tpu.memory_space<vmem>>) semaphore(%arg7 : memref<!tpu.dma_semaphore, #tpu.memory_space<semaphore_mem>>)
    %dma_start3A_38 = arith.constant 1 : i32
    %dma_start3A_39 = arith.constant 3 : i32
    %dma_start3A_40 = arith.constant 0 : i32
    %dma_start3A_41 = arith.constant 0 : i32
    %dma_start3A_42 = tpu.memref_slice %arg6[%dma_start3A_39, %dma_start3A_40, %dma_start3A_41] : memref<10x64x128xf32, #tpu.memory_space<vmem>> -> memref<1x64x128xf32, #tpu.memory_space<vmem>>
    %dma_start3A_43 = tpu.memref_squeeze %dma_start3A_42 : memref<1x64x128xf32, #tpu.memory_space<vmem>> -> memref<64x128xf32, #tpu.memory_space<vmem>>
    %dma_start3A_44 = arith.constant 64 : i32
    %dma_start3A_45 = tpu.memref_slice %arg5[%dma_start3A_38, %dma_start3A_44] : memref<50x128xi32, #tpu.memory_space<vmem>> -> memref<1x64xi32, #tpu.memory_space<vmem>>
    %dma_start3A_46 = tpu.memref_squeeze %dma_start3A_45 : memref<1x64xi32, #tpu.memory_space<vmem>> -> memref<64xi32, #tpu.memory_space<vmem>>
    %dma_start3A_47 = arith.constant 0 : i32
    %dma_start3A_48 = arith.constant 0 : i32
    %dma_start3A_49 = tpu.memref_slice %arg3[%dma_start3A_47, %dma_start3A_48] : memref<1000000x128xf32, #tpu.memory_space<hbm>> -> memref<1000000x128xf32, #tpu.memory_space<hbm>>
    tpu.enqueue_indirect_dma source(%dma_start3A_49 : memref<1000000x128xf32, #tpu.memory_space<hbm>>) target(%dma_start3A_43 : memref<64x128xf32, #tpu.memory_space<vmem>>) offsets(%dma_start3A_46 : memref<64xi32, #tpu.memory_space<vmem>>) semaphore(%arg7 : memref<!tpu.dma_semaphore, #tpu.memory_space<semaphore_mem>>)
    %dma_start3A_50 = arith.constant 2 : i32
    %dma_start3A_51 = arith.constant 4 : i32
    %dma_start3A_52 = arith.constant 0 : i32
    %dma_start3A_53 = arith.constant 0 : i32
    %dma_start3A_54 = tpu.memref_slice %arg6[%dma_start3A_51, %dma_start3A_52, %dma_start3A_53] : memref<10x64x128xf32, #tpu.memory_space<vmem>> -> memref<1x64x128xf32, #tpu.memory_space<vmem>>
    %dma_start3A_55 = tpu.memref_squeeze %dma_start3A_54 : memref<1x64x128xf32, #tpu.memory_space<vmem>> -> memref<64x128xf32, #tpu.memory_space<vmem>>
    %dma_start3A_56 = arith.constant 0 : i32
    %dma_start3A_57 = tpu.memref_slice %arg5[%dma_start3A_50, %dma_start3A_56] : memref<50x128xi32, #tpu.memory_space<vmem>> -> memref<1x64xi32, #tpu.memory_space<vmem>>
    %dma_start3A_58 = tpu.memref_squeeze %dma_start3A_57 : memref<1x64xi32, #tpu.memory_space<vmem>> -> memref<64xi32, #tpu.memory_space<vmem>>
    %dma_start3A_59 = arith.constant 0 : i32
    %dma_start3A_60 = arith.constant 0 : i32
    %dma_start3A_61 = tpu.memref_slice %arg3[%dma_start3A_59, %dma_start3A_60] : memref<1000000x128xf32, #tpu.memory_space<hbm>> -> memref<1000000x128xf32, #tpu.memory_space<hbm>>
    tpu.enqueue_indirect_dma source(%dma_start3A_61 : memref<1000000x128xf32, #tpu.memory_space<hbm>>) target(%dma_start3A_55 : memref<64x128xf32, #tpu.memory_space<vmem>>) offsets(%dma_start3A_58 : memref<64xi32, #tpu.memory_space<vmem>>) semaphore(%arg7 : memref<!tpu.dma_semaphore, #tpu.memory_space<semaphore_mem>>)
    %scan3A = arith.constant 0 : i32
    %scan3A_62 = arith.constant 20 : i32
    %scan3A_63 = arith.addi %scan3A, %scan3A_62 : i32
    %scan3A_64 = arith.constant 1 : i32
    scf.for %scan3A_130 = %scan3A to %scan3A_63 step %scan3A_64  : i32 {
      %mul3A_131 = arith.constant 1 : i32
      %mul3A_132 = arith.muli %scan3A_130, %mul3A_131 : i32
      %add3A_133 = arith.constant 0 : i32
      %add3A_134 = arith.addi %add3A_133, %mul3A_132 : i32
      %rem3A = arith.constant 2 : i32
      %rem3A_135 = arith.remsi %add3A_134, %rem3A : i32
      %mul3A_136 = arith.constant 5 : i32
      %mul3A_137 = arith.muli %rem3A_135, %mul3A_136 : i32
      %sub3A = arith.constant 5 : i32
      %sub3A_138 = arith.subi %sub3A, %mul3A_137 : i32
      %dma_wait3A_139 = arith.constant 0 : i32
      %dma_wait3A_140 = arith.constant 0 : i32
      %dma_wait3A_141 = arith.constant 0 : i32
      %dma_wait3A_142 = arith.constant 0 : i32
      %dma_wait3A_143 = tpu.memref_slice %arg6[%dma_wait3A_140, %dma_wait3A_141, %dma_wait3A_142] : memref<10x64x128xf32, #tpu.memory_space<vmem>> -> memref<1x64x128xf32, #tpu.memory_space<vmem>>
      %dma_wait3A_144 = tpu.memref_squeeze %dma_wait3A_143 : memref<1x64x128xf32, #tpu.memory_space<vmem>> -> memref<64x128xf32, #tpu.memory_space<vmem>>
      %dma_wait3A_145 = arith.constant 0 : i32
      %dma_wait3A_146 = tpu.memref_slice %arg5[%dma_wait3A_139, %dma_wait3A_145] : memref<50x128xi32, #tpu.memory_space<vmem>> -> memref<1x64xi32, #tpu.memory_space<vmem>>
      %dma_wait3A_147 = tpu.memref_squeeze %dma_wait3A_146 : memref<1x64xi32, #tpu.memory_space<vmem>> -> memref<64xi32, #tpu.memory_space<vmem>>
      %dma_wait3A_148 = arith.constant 0 : i32
      %dma_wait3A_149 = arith.constant 0 : i32
      %dma_wait3A_150 = tpu.memref_slice %arg3[%dma_wait3A_148, %dma_wait3A_149] : memref<1000000x128xf32, #tpu.memory_space<hbm>> -> memref<1000000x128xf32, #tpu.memory_space<hbm>>
      tpu.wait_indirect_dma semaphore(%arg7 : memref<!tpu.dma_semaphore, #tpu.memory_space<semaphore_mem>>) src(%dma_wait3A_150 : memref<1000000x128xf32, #tpu.memory_space<hbm>>) dst(%dma_wait3A_144 : memref<64x128xf32, #tpu.memory_space<vmem>>)
      %dma_wait3A_151 = arith.constant 0 : i32
      %dma_wait3A_152 = arith.constant 0 : i32
      %dma_wait3A_153 = arith.constant 0 : i32
      %dma_wait3A_154 = arith.constant 0 : i32
      %dma_wait3A_155 = tpu.memref_slice %arg6[%dma_wait3A_152, %dma_wait3A_153, %dma_wait3A_154] : memref<10x64x128xf32, #tpu.memory_space<vmem>> -> memref<1x64x128xf32, #tpu.memory_space<vmem>>
      %dma_wait3A_156 = tpu.memref_squeeze %dma_wait3A_155 : memref<1x64x128xf32, #tpu.memory_space<vmem>> -> memref<64x128xf32, #tpu.memory_space<vmem>>
      %dma_wait3A_157 = arith.constant 0 : i32
      %dma_wait3A_158 = tpu.memref_slice %arg5[%dma_wait3A_151, %dma_wait3A_157] : memref<50x128xi32, #tpu.memory_space<vmem>> -> memref<1x64xi32, #tpu.memory_space<vmem>>
      %dma_wait3A_159 = tpu.memref_squeeze %dma_wait3A_158 : memref<1x64xi32, #tpu.memory_space<vmem>> -> memref<64xi32, #tpu.memory_space<vmem>>
      %dma_wait3A_160 = arith.constant 0 : i32
      %dma_wait3A_161 = arith.constant 0 : i32
      %dma_wait3A_162 = tpu.memref_slice %arg3[%dma_wait3A_160, %dma_wait3A_161] : memref<1000000x128xf32, #tpu.memory_space<hbm>> -> memref<1000000x128xf32, #tpu.memory_space<hbm>>
      tpu.wait_indirect_dma semaphore(%arg7 : memref<!tpu.dma_semaphore, #tpu.memory_space<semaphore_mem>>) src(%dma_wait3A_162 : memref<1000000x128xf32, #tpu.memory_space<hbm>>) dst(%dma_wait3A_156 : memref<64x128xf32, #tpu.memory_space<vmem>>)
      %dma_wait3A_163 = arith.constant 0 : i32
      %dma_wait3A_164 = arith.constant 0 : i32
      %dma_wait3A_165 = arith.constant 0 : i32
      %dma_wait3A_166 = arith.constant 0 : i32
      %dma_wait3A_167 = tpu.memref_slice %arg6[%dma_wait3A_164, %dma_wait3A_165, %dma_wait3A_166] : memref<10x64x128xf32, #tpu.memory_space<vmem>> -> memref<1x64x128xf32, #tpu.memory_space<vmem>>
      %dma_wait3A_168 = tpu.memref_squeeze %dma_wait3A_167 : memref<1x64x128xf32, #tpu.memory_space<vmem>> -> memref<64x128xf32, #tpu.memory_space<vmem>>
      %dma_wait3A_169 = arith.constant 0 : i32
      %dma_wait3A_170 = tpu.memref_slice %arg5[%dma_wait3A_163, %dma_wait3A_169] : memref<50x128xi32, #tpu.memory_space<vmem>> -> memref<1x64xi32, #tpu.memory_space<vmem>>
      %dma_wait3A_171 = tpu.memref_squeeze %dma_wait3A_170 : memref<1x64xi32, #tpu.memory_space<vmem>> -> memref<64xi32, #tpu.memory_space<vmem>>
      %dma_wait3A_172 = arith.constant 0 : i32
      %dma_wait3A_173 = arith.constant 0 : i32
      %dma_wait3A_174 = tpu.memref_slice %arg3[%dma_wait3A_172, %dma_wait3A_173] : memref<1000000x128xf32, #tpu.memory_space<hbm>> -> memref<1000000x128xf32, #tpu.memory_space<hbm>>
      tpu.wait_indirect_dma semaphore(%arg7 : memref<!tpu.dma_semaphore, #tpu.memory_space<semaphore_mem>>) src(%dma_wait3A_174 : memref<1000000x128xf32, #tpu.memory_space<hbm>>) dst(%dma_wait3A_168 : memref<64x128xf32, #tpu.memory_space<vmem>>)
      %dma_wait3A_175 = arith.constant 0 : i32
      %dma_wait3A_176 = arith.constant 0 : i32
      %dma_wait3A_177 = arith.constant 0 : i32
      %dma_wait3A_178 = arith.constant 0 : i32
      %dma_wait3A_179 = tpu.memref_slice %arg6[%dma_wait3A_176, %dma_wait3A_177, %dma_wait3A_178] : memref<10x64x128xf32, #tpu.memory_space<vmem>> -> memref<1x64x128xf32, #tpu.memory_space<vmem>>
      %dma_wait3A_180 = tpu.memref_squeeze %dma_wait3A_179 : memref<1x64x128xf32, #tpu.memory_space<vmem>> -> memref<64x128xf32, #tpu.memory_space<vmem>>
      %dma_wait3A_181 = arith.constant 0 : i32
      %dma_wait3A_182 = tpu.memref_slice %arg5[%dma_wait3A_175, %dma_wait3A_181] : memref<50x128xi32, #tpu.memory_space<vmem>> -> memref<1x64xi32, #tpu.memory_space<vmem>>
      %dma_wait3A_183 = tpu.memref_squeeze %dma_wait3A_182 : memref<1x64xi32, #tpu.memory_space<vmem>> -> memref<64xi32, #tpu.memory_space<vmem>>
      %dma_wait3A_184 = arith.constant 0 : i32
      %dma_wait3A_185 = arith.constant 0 : i32
      %dma_wait3A_186 = tpu.memref_slice %arg3[%dma_wait3A_184, %dma_wait3A_185] : memref<1000000x128xf32, #tpu.memory_space<hbm>> -> memref<1000000x128xf32, #tpu.memory_space<hbm>>
      tpu.wait_indirect_dma semaphore(%arg7 : memref<!tpu.dma_semaphore, #tpu.memory_space<semaphore_mem>>) src(%dma_wait3A_186 : memref<1000000x128xf32, #tpu.memory_space<hbm>>) dst(%dma_wait3A_180 : memref<64x128xf32, #tpu.memory_space<vmem>>)
      %dma_wait3A_187 = arith.constant 0 : i32
      %dma_wait3A_188 = arith.constant 0 : i32
      %dma_wait3A_189 = arith.constant 0 : i32
      %dma_wait3A_190 = arith.constant 0 : i32
      %dma_wait3A_191 = tpu.memref_slice %arg6[%dma_wait3A_188, %dma_wait3A_189, %dma_wait3A_190] : memref<10x64x128xf32, #tpu.memory_space<vmem>> -> memref<1x64x128xf32, #tpu.memory_space<vmem>>
      %dma_wait3A_192 = tpu.memref_squeeze %dma_wait3A_191 : memref<1x64x128xf32, #tpu.memory_space<vmem>> -> memref<64x128xf32, #tpu.memory_space<vmem>>
      %dma_wait3A_193 = arith.constant 0 : i32
      %dma_wait3A_194 = tpu.memref_slice %arg5[%dma_wait3A_187, %dma_wait3A_193] : memref<50x128xi32, #tpu.memory_space<vmem>> -> memref<1x64xi32, #tpu.memory_space<vmem>>
      %dma_wait3A_195 = tpu.memref_squeeze %dma_wait3A_194 : memref<1x64xi32, #tpu.memory_space<vmem>> -> memref<64xi32, #tpu.memory_space<vmem>>
      %dma_wait3A_196 = arith.constant 0 : i32
      %dma_wait3A_197 = arith.constant 0 : i32
      %dma_wait3A_198 = tpu.memref_slice %arg3[%dma_wait3A_196, %dma_wait3A_197] : memref<1000000x128xf32, #tpu.memory_space<hbm>> -> memref<1000000x128xf32, #tpu.memory_space<hbm>>
      tpu.wait_indirect_dma semaphore(%arg7 : memref<!tpu.dma_semaphore, #tpu.memory_space<semaphore_mem>>) src(%dma_wait3A_198 : memref<1000000x128xf32, #tpu.memory_space<hbm>>) dst(%dma_wait3A_192 : memref<64x128xf32, #tpu.memory_space<vmem>>)
      %ge3A = arith.constant 1 : i32
      %ge3A_199 = arith.cmpi sge, %add3A_134, %ge3A : i32
      %convert_element_type3A = arith.extui %ge3A_199 : i1 to i32
      %cond3A = arith.constant 0 : i32
      %cond3A_200 = arith.cmpi ne, %convert_element_type3A, %cond3A : i32
      scf.if %cond3A_200 {
        %dma_wait3A_520 = arith.constant 0 : i32
        %dma_wait3A_521 = arith.constant 0 : i32
        %dma_wait3A_522 = arith.constant 0 : i32
        %dma_wait3A_523 = tpu.memref_slice %arg6[%dma_wait3A_520, %dma_wait3A_521, %dma_wait3A_522] : memref<10x64x128xf32, #tpu.memory_space<vmem>> -> memref<1x64x128xf32, #tpu.memory_space<vmem>>
        %dma_wait3A_524 = tpu.memref_squeeze %dma_wait3A_523 : memref<1x64x128xf32, #tpu.memory_space<vmem>> -> memref<64x128xf32, #tpu.memory_space<vmem>>
        %dma_wait3A_525 = arith.constant 0 : i32
        %dma_wait3A_526 = tpu.memref_slice %arg4[%mul3A_2, %dma_wait3A_525] : memref<204800x128xf32, #tpu.memory_space<hbm>> -> memref<64x128xf32, #tpu.memory_space<hbm>>
        %dma_wait3A_527 = arith.constant 0 : i32
        %dma_wait3A_528 = tpu.memref_slice %arg4[%mul3A_2, %dma_wait3A_527] : memref<204800x128xf32, #tpu.memory_space<hbm>> -> memref<64x128xf32, #tpu.memory_space<hbm>>
        %dma_wait3A_529 = arith.constant 0 : i32
        %dma_wait3A_530 = arith.constant 0 : i32
        %dma_wait3A_531 = tpu.memref_slice %arg6[%dma_wait3A_520, %dma_wait3A_529, %dma_wait3A_530] : memref<10x64x128xf32, #tpu.memory_space<vmem>> -> memref<1x64x128xf32, #tpu.memory_space<vmem>>
        %dma_wait3A_532 = tpu.memref_squeeze %dma_wait3A_531 : memref<1x64x128xf32, #tpu.memory_space<vmem>> -> memref<64x128xf32, #tpu.memory_space<vmem>>
        tpu.wait_dma2 semaphore(%arg8 : memref<!tpu.dma_semaphore, #tpu.memory_space<semaphore_mem>>) src(%dma_wait3A_532 : memref<64x128xf32, #tpu.memory_space<vmem>>) dst(%dma_wait3A_528 : memref<64x128xf32, #tpu.memory_space<hbm>>)
        %dma_wait3A_533 = arith.constant 0 : i32
        %dma_wait3A_534 = arith.constant 0 : i32
        %dma_wait3A_535 = arith.constant 0 : i32
        %dma_wait3A_536 = tpu.memref_slice %arg6[%dma_wait3A_533, %dma_wait3A_534, %dma_wait3A_535] : memref<10x64x128xf32, #tpu.memory_space<vmem>> -> memref<1x64x128xf32, #tpu.memory_space<vmem>>
        %dma_wait3A_537 = tpu.memref_squeeze %dma_wait3A_536 : memref<1x64x128xf32, #tpu.memory_space<vmem>> -> memref<64x128xf32, #tpu.memory_space<vmem>>
        %dma_wait3A_538 = arith.constant 0 : i32
        %dma_wait3A_539 = tpu.memref_slice %arg4[%mul3A_2, %dma_wait3A_538] : memref<204800x128xf32, #tpu.memory_space<hbm>> -> memref<64x128xf32, #tpu.memory_space<hbm>>
        %dma_wait3A_540 = arith.constant 0 : i32
        %dma_wait3A_541 = tpu.memref_slice %arg4[%mul3A_2, %dma_wait3A_540] : memref<204800x128xf32, #tpu.memory_space<hbm>> -> memref<64x128xf32, #tpu.memory_space<hbm>>
        %dma_wait3A_542 = arith.constant 0 : i32
        %dma_wait3A_543 = arith.constant 0 : i32
        %dma_wait3A_544 = tpu.memref_slice %arg6[%dma_wait3A_533, %dma_wait3A_542, %dma_wait3A_543] : memref<10x64x128xf32, #tpu.memory_space<vmem>> -> memref<1x64x128xf32, #tpu.memory_space<vmem>>
        %dma_wait3A_545 = tpu.memref_squeeze %dma_wait3A_544 : memref<1x64x128xf32, #tpu.memory_space<vmem>> -> memref<64x128xf32, #tpu.memory_space<vmem>>
        tpu.wait_dma2 semaphore(%arg8 : memref<!tpu.dma_semaphore, #tpu.memory_space<semaphore_mem>>) src(%dma_wait3A_545 : memref<64x128xf32, #tpu.memory_space<vmem>>) dst(%dma_wait3A_541 : memref<64x128xf32, #tpu.memory_space<hbm>>)
        %dma_wait3A_546 = arith.constant 0 : i32
        %dma_wait3A_547 = arith.constant 0 : i32
        %dma_wait3A_548 = arith.constant 0 : i32
        %dma_wait3A_549 = tpu.memref_slice %arg6[%dma_wait3A_546, %dma_wait3A_547, %dma_wait3A_548] : memref<10x64x128xf32, #tpu.memory_space<vmem>> -> memref<1x64x128xf32, #tpu.memory_space<vmem>>
        %dma_wait3A_550 = tpu.memref_squeeze %dma_wait3A_549 : memref<1x64x128xf32, #tpu.memory_space<vmem>> -> memref<64x128xf32, #tpu.memory_space<vmem>>
        %dma_wait3A_551 = arith.constant 0 : i32
        %dma_wait3A_552 = tpu.memref_slice %arg4[%mul3A_2, %dma_wait3A_551] : memref<204800x128xf32, #tpu.memory_space<hbm>> -> memref<64x128xf32, #tpu.memory_space<hbm>>
        %dma_wait3A_553 = arith.constant 0 : i32
        %dma_wait3A_554 = tpu.memref_slice %arg4[%mul3A_2, %dma_wait3A_553] : memref<204800x128xf32, #tpu.memory_space<hbm>> -> memref<64x128xf32, #tpu.memory_space<hbm>>
        %dma_wait3A_555 = arith.constant 0 : i32
        %dma_wait3A_556 = arith.constant 0 : i32
        %dma_wait3A_557 = tpu.memref_slice %arg6[%dma_wait3A_546, %dma_wait3A_555, %dma_wait3A_556] : memref<10x64x128xf32, #tpu.memory_space<vmem>> -> memref<1x64x128xf32, #tpu.memory_space<vmem>>
        %dma_wait3A_558 = tpu.memref_squeeze %dma_wait3A_557 : memref<1x64x128xf32, #tpu.memory_space<vmem>> -> memref<64x128xf32, #tpu.memory_space<vmem>>
        tpu.wait_dma2 semaphore(%arg8 : memref<!tpu.dma_semaphore, #tpu.memory_space<semaphore_mem>>) src(%dma_wait3A_558 : memref<64x128xf32, #tpu.memory_space<vmem>>) dst(%dma_wait3A_554 : memref<64x128xf32, #tpu.memory_space<hbm>>)
        %dma_wait3A_559 = arith.constant 0 : i32
        %dma_wait3A_560 = arith.constant 0 : i32
        %dma_wait3A_561 = arith.constant 0 : i32
        %dma_wait3A_562 = tpu.memref_slice %arg6[%dma_wait3A_559, %dma_wait3A_560, %dma_wait3A_561] : memref<10x64x128xf32, #tpu.memory_space<vmem>> -> memref<1x64x128xf32, #tpu.memory_space<vmem>>
        %dma_wait3A_563 = tpu.memref_squeeze %dma_wait3A_562 : memref<1x64x128xf32, #tpu.memory_space<vmem>> -> memref<64x128xf32, #tpu.memory_space<vmem>>
        %dma_wait3A_564 = arith.constant 0 : i32
        %dma_wait3A_565 = tpu.memref_slice %arg4[%mul3A_2, %dma_wait3A_564] : memref<204800x128xf32, #tpu.memory_space<hbm>> -> memref<64x128xf32, #tpu.memory_space<hbm>>
        %dma_wait3A_566 = arith.constant 0 : i32
        %dma_wait3A_567 = tpu.memref_slice %arg4[%mul3A_2, %dma_wait3A_566] : memref<204800x128xf32, #tpu.memory_space<hbm>> -> memref<64x128xf32, #tpu.memory_space<hbm>>
        %dma_wait3A_568 = arith.constant 0 : i32
        %dma_wait3A_569 = arith.constant 0 : i32
        %dma_wait3A_570 = tpu.memref_slice %arg6[%dma_wait3A_559, %dma_wait3A_568, %dma_wait3A_569] : memref<10x64x128xf32, #tpu.memory_space<vmem>> -> memref<1x64x128xf32, #tpu.memory_space<vmem>>
        %dma_wait3A_571 = tpu.memref_squeeze %dma_wait3A_570 : memref<1x64x128xf32, #tpu.memory_space<vmem>> -> memref<64x128xf32, #tpu.memory_space<vmem>>
        tpu.wait_dma2 semaphore(%arg8 : memref<!tpu.dma_semaphore, #tpu.memory_space<semaphore_mem>>) src(%dma_wait3A_571 : memref<64x128xf32, #tpu.memory_space<vmem>>) dst(%dma_wait3A_567 : memref<64x128xf32, #tpu.memory_space<hbm>>)
        %dma_wait3A_572 = arith.constant 0 : i32
        %dma_wait3A_573 = arith.constant 0 : i32
        %dma_wait3A_574 = arith.constant 0 : i32
        %dma_wait3A_575 = tpu.memref_slice %arg6[%dma_wait3A_572, %dma_wait3A_573, %dma_wait3A_574] : memref<10x64x128xf32, #tpu.memory_space<vmem>> -> memref<1x64x128xf32, #tpu.memory_space<vmem>>
        %dma_wait3A_576 = tpu.memref_squeeze %dma_wait3A_575 : memref<1x64x128xf32, #tpu.memory_space<vmem>> -> memref<64x128xf32, #tpu.memory_space<vmem>>
        %dma_wait3A_577 = arith.constant 0 : i32
        %dma_wait3A_578 = tpu.memref_slice %arg4[%mul3A_2, %dma_wait3A_577] : memref<204800x128xf32, #tpu.memory_space<hbm>> -> memref<64x128xf32, #tpu.memory_space<hbm>>
        %dma_wait3A_579 = arith.constant 0 : i32
        %dma_wait3A_580 = tpu.memref_slice %arg4[%mul3A_2, %dma_wait3A_579] : memref<204800x128xf32, #tpu.memory_space<hbm>> -> memref<64x128xf32, #tpu.memory_space<hbm>>
        %dma_wait3A_581 = arith.constant 0 : i32
        %dma_wait3A_582 = arith.constant 0 : i32
        %dma_wait3A_583 = tpu.memref_slice %arg6[%dma_wait3A_572, %dma_wait3A_581, %dma_wait3A_582] : memref<10x64x128xf32, #tpu.memory_space<vmem>> -> memref<1x64x128xf32, #tpu.memory_space<vmem>>
        %dma_wait3A_584 = tpu.memref_squeeze %dma_wait3A_583 : memref<1x64x128xf32, #tpu.memory_space<vmem>> -> memref<64x128xf32, #tpu.memory_space<vmem>>
        tpu.wait_dma2 semaphore(%arg8 : memref<!tpu.dma_semaphore, #tpu.memory_space<semaphore_mem>>) src(%dma_wait3A_584 : memref<64x128xf32, #tpu.memory_space<vmem>>) dst(%dma_wait3A_580 : memref<64x128xf32, #tpu.memory_space<hbm>>)
      } else {
      }
      %add3A_201 = arith.constant 1 : i32
      %add3A_202 = arith.addi %add3A_134, %add3A_201 : i32
      %lt3A = arith.constant 20 : i32
      %lt3A_203 = arith.cmpi slt, %add3A_202, %lt3A : i32
      %convert_element_type3A_204 = arith.extui %lt3A_203 : i1 to i32
      %cond3A_205 = arith.constant 0 : i32
      %cond3A_206 = arith.cmpi ne, %convert_element_type3A_204, %cond3A_205 : i32
      scf.if %cond3A_206 {
        %add3A_520 = arith.constant 1 : i32
        %add3A_521 = arith.addi %add3A_134, %add3A_520 : i32
        %mul3A_522 = arith.constant 5 : i32
        %mul3A_523 = arith.muli %add3A_521, %mul3A_522 : i32
        %add3A_524 = arith.constant 0 : i32
        %add3A_525 = arith.addi %mul3A_523, %add3A_524 : i32
        %jit3A_526 = arith.constant 2 : i32
        %div3A_527 = arith.divsi %add3A_525, %jit3A_526 : i32
        %sign3A_528 = arith.constant 0 : i32
        %sign3A_529 = arith.cmpi sgt, %add3A_525, %sign3A_528 : i32
        %sign3A_530 = arith.extui %sign3A_529 : i1 to i32
        %sign3A_531 = arith.constant 0 : i32
        %sign3A_532 = arith.cmpi slt, %add3A_525, %sign3A_531 : i32
        %sign3A_533 = arith.extui %sign3A_532 : i1 to i32
        %sign3A_534 = arith.subi %sign3A_530, %sign3A_533 : i32
        %sign3A_535 = arith.constant 0 : i32
        %sign3A_536 = arith.cmpi sgt, %jit3A_526, %sign3A_535 : i32
        %sign3A_537 = arith.extui %sign3A_536 : i1 to i32
        %sign3A_538 = arith.constant 0 : i32
        %sign3A_539 = arith.cmpi slt, %jit3A_526, %sign3A_538 : i32
        %sign3A_540 = arith.extui %sign3A_539 : i1 to i32
        %sign3A_541 = arith.subi %sign3A_537, %sign3A_540 : i32
        %ne3A_542 = arith.cmpi ne, %sign3A_534, %sign3A_541 : i32
        %rem3A_543 = arith.remsi %add3A_525, %jit3A_526 : i32
        %ne3A_544 = arith.constant 0 : i32
        %ne3A_545 = arith.cmpi ne, %rem3A_543, %ne3A_544 : i32
        %and3A_546 = arith.andi %ne3A_542, %ne3A_545 : i1
        %sub3A_547 = arith.constant 1 : i32
        %sub3A_548 = arith.subi %div3A_527, %sub3A_547 : i32
        %select_n3A_549 = arith.select %and3A_546, %sub3A_548, %div3A_527 : i32
        %jit3A_550 = arith.constant 2 : i32
        %eq3A_551 = arith.constant 0 : i32
        %eq3A_552 = arith.cmpi eq, %jit3A_550, %eq3A_551 : i32
        %jit3A_553 = arith.constant 1 : i32
        %select_n3A_554 = arith.select %eq3A_552, %jit3A_553, %jit3A_550 : i32
        %rem3A_555 = arith.remsi %add3A_525, %select_n3A_554 : i32
        %ne3A_556 = arith.constant 0 : i32
        %ne3A_557 = arith.cmpi ne, %rem3A_555, %ne3A_556 : i32
        %lt3A_558 = arith.constant 0 : i32
        %lt3A_559 = arith.cmpi slt, %rem3A_555, %lt3A_558 : i32
        %lt3A_560 = arith.constant 0 : i32
        %lt3A_561 = arith.cmpi slt, %select_n3A_554, %lt3A_560 : i32
        %ne3A_562 = arith.xori %lt3A_559, %lt3A_561 : i1
        %and3A_563 = arith.andi %ne3A_562, %ne3A_557 : i1
        %add3A_564 = arith.addi %rem3A_555, %select_n3A_554 : i32
        %select_n3A_565 = arith.select %and3A_563, %add3A_564, %rem3A_555 : i32
        %mul3A_566 = arith.constant 64 : i32
        %mul3A_567 = arith.muli %select_n3A_565, %mul3A_566 : i32
        %add3A_568 = arith.constant 0 : i32
        %add3A_569 = arith.addi %sub3A_138, %add3A_568 : i32
        %dma_start3A_570 = arith.constant 0 : i32
        %dma_start3A_571 = arith.constant 0 : i32
        %dma_start3A_572 = tpu.memref_slice %arg6[%add3A_569, %dma_start3A_570, %dma_start3A_571] : memref<10x64x128xf32, #tpu.memory_space<vmem>> -> memref<1x64x128xf32, #tpu.memory_space<vmem>>
        %dma_start3A_573 = tpu.memref_squeeze %dma_start3A_572 : memref<1x64x128xf32, #tpu.memory_space<vmem>> -> memref<64x128xf32, #tpu.memory_space<vmem>>
        %dma_start3A_574 = tpu.memref_slice %arg5[%select_n3A_549, %mul3A_567] : memref<50x128xi32, #tpu.memory_space<vmem>> -> memref<1x64xi32, #tpu.memory_space<vmem>>
        %dma_start3A_575 = tpu.memref_squeeze %dma_start3A_574 : memref<1x64xi32, #tpu.memory_space<vmem>> -> memref<64xi32, #tpu.memory_space<vmem>>
        %dma_start3A_576 = arith.constant 0 : i32
        %dma_start3A_577 = arith.constant 0 : i32
        %dma_start3A_578 = tpu.memref_slice %arg3[%dma_start3A_576, %dma_start3A_577] : memref<1000000x128xf32, #tpu.memory_space<hbm>> -> memref<1000000x128xf32, #tpu.memory_space<hbm>>
        tpu.enqueue_indirect_dma source(%dma_start3A_578 : memref<1000000x128xf32, #tpu.memory_space<hbm>>) target(%dma_start3A_573 : memref<64x128xf32, #tpu.memory_space<vmem>>) offsets(%dma_start3A_575 : memref<64xi32, #tpu.memory_space<vmem>>) semaphore(%arg7 : memref<!tpu.dma_semaphore, #tpu.memory_space<semaphore_mem>>)
        %add3A_579 = arith.constant 1 : i32
        %add3A_580 = arith.addi %add3A_134, %add3A_579 : i32
        %mul3A_581 = arith.constant 5 : i32
        %mul3A_582 = arith.muli %add3A_580, %mul3A_581 : i32
        %add3A_583 = arith.constant 1 : i32
        %add3A_584 = arith.addi %mul3A_582, %add3A_583 : i32
        %jit3A_585 = arith.constant 2 : i32
        %div3A_586 = arith.divsi %add3A_584, %jit3A_585 : i32
        %sign3A_587 = arith.constant 0 : i32
        %sign3A_588 = arith.cmpi sgt, %add3A_584, %sign3A_587 : i32
        %sign3A_589 = arith.extui %sign3A_588 : i1 to i32
        %sign3A_590 = arith.constant 0 : i32
        %sign3A_591 = arith.cmpi slt, %add3A_584, %sign3A_590 : i32
        %sign3A_592 = arith.extui %sign3A_591 : i1 to i32
        %sign3A_593 = arith.subi %sign3A_589, %sign3A_592 : i32
        %sign3A_594 = arith.constant 0 : i32
        %sign3A_595 = arith.cmpi sgt, %jit3A_585, %sign3A_594 : i32
        %sign3A_596 = arith.extui %sign3A_595 : i1 to i32
        %sign3A_597 = arith.constant 0 : i32
        %sign3A_598 = arith.cmpi slt, %jit3A_585, %sign3A_597 : i32
        %sign3A_599 = arith.extui %sign3A_598 : i1 to i32
        %sign3A_600 = arith.subi %sign3A_596, %sign3A_599 : i32
        %ne3A_601 = arith.cmpi ne, %sign3A_593, %sign3A_600 : i32
        %rem3A_602 = arith.remsi %add3A_584, %jit3A_585 : i32
        %ne3A_603 = arith.constant 0 : i32
        %ne3A_604 = arith.cmpi ne, %rem3A_602, %ne3A_603 : i32
        %and3A_605 = arith.andi %ne3A_601, %ne3A_604 : i1
        %sub3A_606 = arith.constant 1 : i32
        %sub3A_607 = arith.subi %div3A_586, %sub3A_606 : i32
        %select_n3A_608 = arith.select %and3A_605, %sub3A_607, %div3A_586 : i32
        %jit3A_609 = arith.constant 2 : i32
        %eq3A_610 = arith.constant 0 : i32
        %eq3A_611 = arith.cmpi eq, %jit3A_609, %eq3A_610 : i32
        %jit3A_612 = arith.constant 1 : i32
        %select_n3A_613 = arith.select %eq3A_611, %jit3A_612, %jit3A_609 : i32
        %rem3A_614 = arith.remsi %add3A_584, %select_n3A_613 : i32
        %ne3A_615 = arith.constant 0 : i32
        %ne3A_616 = arith.cmpi ne, %rem3A_614, %ne3A_615 : i32
        %lt3A_617 = arith.constant 0 : i32
        %lt3A_618 = arith.cmpi slt, %rem3A_614, %lt3A_617 : i32
        %lt3A_619 = arith.constant 0 : i32
        %lt3A_620 = arith.cmpi slt, %select_n3A_613, %lt3A_619 : i32
        %ne3A_621 = arith.xori %lt3A_618, %lt3A_620 : i1
        %and3A_622 = arith.andi %ne3A_621, %ne3A_616 : i1
        %add3A_623 = arith.addi %rem3A_614, %select_n3A_613 : i32
        %select_n3A_624 = arith.select %and3A_622, %add3A_623, %rem3A_614 : i32
        %mul3A_625 = arith.constant 64 : i32
        %mul3A_626 = arith.muli %select_n3A_624, %mul3A_625 : i32
        %add3A_627 = arith.constant 1 : i32
        %add3A_628 = arith.addi %sub3A_138, %add3A_627 : i32
        %dma_start3A_629 = arith.constant 0 : i32
        %dma_start3A_630 = arith.constant 0 : i32
        %dma_start3A_631 = tpu.memref_slice %arg6[%add3A_628, %dma_start3A_629, %dma_start3A_630] : memref<10x64x128xf32, #tpu.memory_space<vmem>> -> memref<1x64x128xf32, #tpu.memory_space<vmem>>
        %dma_start3A_632 = tpu.memref_squeeze %dma_start3A_631 : memref<1x64x128xf32, #tpu.memory_space<vmem>> -> memref<64x128xf32, #tpu.memory_space<vmem>>
        %dma_start3A_633 = tpu.memref_slice %arg5[%select_n3A_608, %mul3A_626] : memref<50x128xi32, #tpu.memory_space<vmem>> -> memref<1x64xi32, #tpu.memory_space<vmem>>
        %dma_start3A_634 = tpu.memref_squeeze %dma_start3A_633 : memref<1x64xi32, #tpu.memory_space<vmem>> -> memref<64xi32, #tpu.memory_space<vmem>>
        %dma_start3A_635 = arith.constant 0 : i32
        %dma_start3A_636 = arith.constant 0 : i32
        %dma_start3A_637 = tpu.memref_slice %arg3[%dma_start3A_635, %dma_start3A_636] : memref<1000000x128xf32, #tpu.memory_space<hbm>> -> memref<1000000x128xf32, #tpu.memory_space<hbm>>
        tpu.enqueue_indirect_dma source(%dma_start3A_637 : memref<1000000x128xf32, #tpu.memory_space<hbm>>) target(%dma_start3A_632 : memref<64x128xf32, #tpu.memory_space<vmem>>) offsets(%dma_start3A_634 : memref<64xi32, #tpu.memory_space<vmem>>) semaphore(%arg7 : memref<!tpu.dma_semaphore, #tpu.memory_space<semaphore_mem>>)
        %add3A_638 = arith.constant 1 : i32
        %add3A_639 = arith.addi %add3A_134, %add3A_638 : i32
        %mul3A_640 = arith.constant 5 : i32
        %mul3A_641 = arith.muli %add3A_639, %mul3A_640 : i32
        %add3A_642 = arith.constant 2 : i32
        %add3A_643 = arith.addi %mul3A_641, %add3A_642 : i32
        %jit3A_644 = arith.constant 2 : i32
        %div3A_645 = arith.divsi %add3A_643, %jit3A_644 : i32
        %sign3A_646 = arith.constant 0 : i32
        %sign3A_647 = arith.cmpi sgt, %add3A_643, %sign3A_646 : i32
        %sign3A_648 = arith.extui %sign3A_647 : i1 to i32
        %sign3A_649 = arith.constant 0 : i32
        %sign3A_650 = arith.cmpi slt, %add3A_643, %sign3A_649 : i32
        %sign3A_651 = arith.extui %sign3A_650 : i1 to i32
        %sign3A_652 = arith.subi %sign3A_648, %sign3A_651 : i32
        %sign3A_653 = arith.constant 0 : i32
        %sign3A_654 = arith.cmpi sgt, %jit3A_644, %sign3A_653 : i32
        %sign3A_655 = arith.extui %sign3A_654 : i1 to i32
        %sign3A_656 = arith.constant 0 : i32
        %sign3A_657 = arith.cmpi slt, %jit3A_644, %sign3A_656 : i32
        %sign3A_658 = arith.extui %sign3A_657 : i1 to i32
        %sign3A_659 = arith.subi %sign3A_655, %sign3A_658 : i32
        %ne3A_660 = arith.cmpi ne, %sign3A_652, %sign3A_659 : i32
        %rem3A_661 = arith.remsi %add3A_643, %jit3A_644 : i32
        %ne3A_662 = arith.constant 0 : i32
        %ne3A_663 = arith.cmpi ne, %rem3A_661, %ne3A_662 : i32
        %and3A_664 = arith.andi %ne3A_660, %ne3A_663 : i1
        %sub3A_665 = arith.constant 1 : i32
        %sub3A_666 = arith.subi %div3A_645, %sub3A_665 : i32
        %select_n3A_667 = arith.select %and3A_664, %sub3A_666, %div3A_645 : i32
        %jit3A_668 = arith.constant 2 : i32
        %eq3A_669 = arith.constant 0 : i32
        %eq3A_670 = arith.cmpi eq, %jit3A_668, %eq3A_669 : i32
        %jit3A_671 = arith.constant 1 : i32
        %select_n3A_672 = arith.select %eq3A_670, %jit3A_671, %jit3A_668 : i32
        %rem3A_673 = arith.remsi %add3A_643, %select_n3A_672 : i32
        %ne3A_674 = arith.constant 0 : i32
        %ne3A_675 = arith.cmpi ne, %rem3A_673, %ne3A_674 : i32
        %lt3A_676 = arith.constant 0 : i32
        %lt3A_677 = arith.cmpi slt, %rem3A_673, %lt3A_676 : i32
        %lt3A_678 = arith.constant 0 : i32
        %lt3A_679 = arith.cmpi slt, %select_n3A_672, %lt3A_678 : i32
        %ne3A_680 = arith.xori %lt3A_677, %lt3A_679 : i1
        %and3A_681 = arith.andi %ne3A_680, %ne3A_675 : i1
        %add3A_682 = arith.addi %rem3A_673, %select_n3A_672 : i32
        %select_n3A_683 = arith.select %and3A_681, %add3A_682, %rem3A_673 : i32
        %mul3A_684 = arith.constant 64 : i32
        %mul3A_685 = arith.muli %select_n3A_683, %mul3A_684 : i32
        %add3A_686 = arith.constant 2 : i32
        %add3A_687 = arith.addi %sub3A_138, %add3A_686 : i32
        %dma_start3A_688 = arith.constant 0 : i32
        %dma_start3A_689 = arith.constant 0 : i32
        %dma_start3A_690 = tpu.memref_slice %arg6[%add3A_687, %dma_start3A_688, %dma_start3A_689] : memref<10x64x128xf32, #tpu.memory_space<vmem>> -> memref<1x64x128xf32, #tpu.memory_space<vmem>>
        %dma_start3A_691 = tpu.memref_squeeze %dma_start3A_690 : memref<1x64x128xf32, #tpu.memory_space<vmem>> -> memref<64x128xf32, #tpu.memory_space<vmem>>
        %dma_start3A_692 = tpu.memref_slice %arg5[%select_n3A_667, %mul3A_685] : memref<50x128xi32, #tpu.memory_space<vmem>> -> memref<1x64xi32, #tpu.memory_space<vmem>>
        %dma_start3A_693 = tpu.memref_squeeze %dma_start3A_692 : memref<1x64xi32, #tpu.memory_space<vmem>> -> memref<64xi32, #tpu.memory_space<vmem>>
        %dma_start3A_694 = arith.constant 0 : i32
        %dma_start3A_695 = arith.constant 0 : i32
        %dma_start3A_696 = tpu.memref_slice %arg3[%dma_start3A_694, %dma_start3A_695] : memref<1000000x128xf32, #tpu.memory_space<hbm>> -> memref<1000000x128xf32, #tpu.memory_space<hbm>>
        tpu.enqueue_indirect_dma source(%dma_start3A_696 : memref<1000000x128xf32, #tpu.memory_space<hbm>>) target(%dma_start3A_691 : memref<64x128xf32, #tpu.memory_space<vmem>>) offsets(%dma_start3A_693 : memref<64xi32, #tpu.memory_space<vmem>>) semaphore(%arg7 : memref<!tpu.dma_semaphore, #tpu.memory_space<semaphore_mem>>)
        %add3A_697 = arith.constant 1 : i32
        %add3A_698 = arith.addi %add3A_134, %add3A_697 : i32
        %mul3A_699 = arith.constant 5 : i32
        %mul3A_700 = arith.muli %add3A_698, %mul3A_699 : i32
        %add3A_701 = arith.constant 3 : i32
        %add3A_702 = arith.addi %mul3A_700, %add3A_701 : i32
        %jit3A_703 = arith.constant 2 : i32
        %div3A_704 = arith.divsi %add3A_702, %jit3A_703 : i32
        %sign3A_705 = arith.constant 0 : i32
        %sign3A_706 = arith.cmpi sgt, %add3A_702, %sign3A_705 : i32
        %sign3A_707 = arith.extui %sign3A_706 : i1 to i32
        %sign3A_708 = arith.constant 0 : i32
        %sign3A_709 = arith.cmpi slt, %add3A_702, %sign3A_708 : i32
        %sign3A_710 = arith.extui %sign3A_709 : i1 to i32
        %sign3A_711 = arith.subi %sign3A_707, %sign3A_710 : i32
        %sign3A_712 = arith.constant 0 : i32
        %sign3A_713 = arith.cmpi sgt, %jit3A_703, %sign3A_712 : i32
        %sign3A_714 = arith.extui %sign3A_713 : i1 to i32
        %sign3A_715 = arith.constant 0 : i32
        %sign3A_716 = arith.cmpi slt, %jit3A_703, %sign3A_715 : i32
        %sign3A_717 = arith.extui %sign3A_716 : i1 to i32
        %sign3A_718 = arith.subi %sign3A_714, %sign3A_717 : i32
        %ne3A_719 = arith.cmpi ne, %sign3A_711, %sign3A_718 : i32
        %rem3A_720 = arith.remsi %add3A_702, %jit3A_703 : i32
        %ne3A_721 = arith.constant 0 : i32
        %ne3A_722 = arith.cmpi ne, %rem3A_720, %ne3A_721 : i32
        %and3A_723 = arith.andi %ne3A_719, %ne3A_722 : i1
        %sub3A_724 = arith.constant 1 : i32
        %sub3A_725 = arith.subi %div3A_704, %sub3A_724 : i32
        %select_n3A_726 = arith.select %and3A_723, %sub3A_725, %div3A_704 : i32
        %jit3A_727 = arith.constant 2 : i32
        %eq3A_728 = arith.constant 0 : i32
        %eq3A_729 = arith.cmpi eq, %jit3A_727, %eq3A_728 : i32
        %jit3A_730 = arith.constant 1 : i32
        %select_n3A_731 = arith.select %eq3A_729, %jit3A_730, %jit3A_727 : i32
        %rem3A_732 = arith.remsi %add3A_702, %select_n3A_731 : i32
        %ne3A_733 = arith.constant 0 : i32
        %ne3A_734 = arith.cmpi ne, %rem3A_732, %ne3A_733 : i32
        %lt3A_735 = arith.constant 0 : i32
        %lt3A_736 = arith.cmpi slt, %rem3A_732, %lt3A_735 : i32
        %lt3A_737 = arith.constant 0 : i32
        %lt3A_738 = arith.cmpi slt, %select_n3A_731, %lt3A_737 : i32
        %ne3A_739 = arith.xori %lt3A_736, %lt3A_738 : i1
        %and3A_740 = arith.andi %ne3A_739, %ne3A_734 : i1
        %add3A_741 = arith.addi %rem3A_732, %select_n3A_731 : i32
        %select_n3A_742 = arith.select %and3A_740, %add3A_741, %rem3A_732 : i32
        %mul3A_743 = arith.constant 64 : i32
        %mul3A_744 = arith.muli %select_n3A_742, %mul3A_743 : i32
        %add3A_745 = arith.constant 3 : i32
        %add3A_746 = arith.addi %sub3A_138, %add3A_745 : i32
        %dma_start3A_747 = arith.constant 0 : i32
        %dma_start3A_748 = arith.constant 0 : i32
        %dma_start3A_749 = tpu.memref_slice %arg6[%add3A_746, %dma_start3A_747, %dma_start3A_748] : memref<10x64x128xf32, #tpu.memory_space<vmem>> -> memref<1x64x128xf32, #tpu.memory_space<vmem>>
        %dma_start3A_750 = tpu.memref_squeeze %dma_start3A_749 : memref<1x64x128xf32, #tpu.memory_space<vmem>> -> memref<64x128xf32, #tpu.memory_space<vmem>>
        %dma_start3A_751 = tpu.memref_slice %arg5[%select_n3A_726, %mul3A_744] : memref<50x128xi32, #tpu.memory_space<vmem>> -> memref<1x64xi32, #tpu.memory_space<vmem>>
        %dma_start3A_752 = tpu.memref_squeeze %dma_start3A_751 : memref<1x64xi32, #tpu.memory_space<vmem>> -> memref<64xi32, #tpu.memory_space<vmem>>
        %dma_start3A_753 = arith.constant 0 : i32
        %dma_start3A_754 = arith.constant 0 : i32
        %dma_start3A_755 = tpu.memref_slice %arg3[%dma_start3A_753, %dma_start3A_754] : memref<1000000x128xf32, #tpu.memory_space<hbm>> -> memref<1000000x128xf32, #tpu.memory_space<hbm>>
        tpu.enqueue_indirect_dma source(%dma_start3A_755 : memref<1000000x128xf32, #tpu.memory_space<hbm>>) target(%dma_start3A_750 : memref<64x128xf32, #tpu.memory_space<vmem>>) offsets(%dma_start3A_752 : memref<64xi32, #tpu.memory_space<vmem>>) semaphore(%arg7 : memref<!tpu.dma_semaphore, #tpu.memory_space<semaphore_mem>>)
        %add3A_756 = arith.constant 1 : i32
        %add3A_757 = arith.addi %add3A_134, %add3A_756 : i32
        %mul3A_758 = arith.constant 5 : i32
        %mul3A_759 = arith.muli %add3A_757, %mul3A_758 : i32
        %add3A_760 = arith.constant 4 : i32
        %add3A_761 = arith.addi %mul3A_759, %add3A_760 : i32
        %jit3A_762 = arith.constant 2 : i32
        %div3A_763 = arith.divsi %add3A_761, %jit3A_762 : i32
        %sign3A_764 = arith.constant 0 : i32
        %sign3A_765 = arith.cmpi sgt, %add3A_761, %sign3A_764 : i32
        %sign3A_766 = arith.extui %sign3A_765 : i1 to i32
        %sign3A_767 = arith.constant 0 : i32
        %sign3A_768 = arith.cmpi slt, %add3A_761, %sign3A_767 : i32
        %sign3A_769 = arith.extui %sign3A_768 : i1 to i32
        %sign3A_770 = arith.subi %sign3A_766, %sign3A_769 : i32
        %sign3A_771 = arith.constant 0 : i32
        %sign3A_772 = arith.cmpi sgt, %jit3A_762, %sign3A_771 : i32
        %sign3A_773 = arith.extui %sign3A_772 : i1 to i32
        %sign3A_774 = arith.constant 0 : i32
        %sign3A_775 = arith.cmpi slt, %jit3A_762, %sign3A_774 : i32
        %sign3A_776 = arith.extui %sign3A_775 : i1 to i32
        %sign3A_777 = arith.subi %sign3A_773, %sign3A_776 : i32
        %ne3A_778 = arith.cmpi ne, %sign3A_770, %sign3A_777 : i32
        %rem3A_779 = arith.remsi %add3A_761, %jit3A_762 : i32
        %ne3A_780 = arith.constant 0 : i32
        %ne3A_781 = arith.cmpi ne, %rem3A_779, %ne3A_780 : i32
        %and3A_782 = arith.andi %ne3A_778, %ne3A_781 : i1
        %sub3A_783 = arith.constant 1 : i32
        %sub3A_784 = arith.subi %div3A_763, %sub3A_783 : i32
        %select_n3A_785 = arith.select %and3A_782, %sub3A_784, %div3A_763 : i32
        %jit3A_786 = arith.constant 2 : i32
        %eq3A_787 = arith.constant 0 : i32
        %eq3A_788 = arith.cmpi eq, %jit3A_786, %eq3A_787 : i32
        %jit3A_789 = arith.constant 1 : i32
        %select_n3A_790 = arith.select %eq3A_788, %jit3A_789, %jit3A_786 : i32
        %rem3A_791 = arith.remsi %add3A_761, %select_n3A_790 : i32
        %ne3A_792 = arith.constant 0 : i32
        %ne3A_793 = arith.cmpi ne, %rem3A_791, %ne3A_792 : i32
        %lt3A_794 = arith.constant 0 : i32
        %lt3A_795 = arith.cmpi slt, %rem3A_791, %lt3A_794 : i32
        %lt3A_796 = arith.constant 0 : i32
        %lt3A_797 = arith.cmpi slt, %select_n3A_790, %lt3A_796 : i32
        %ne3A_798 = arith.xori %lt3A_795, %lt3A_797 : i1
        %and3A_799 = arith.andi %ne3A_798, %ne3A_793 : i1
        %add3A_800 = arith.addi %rem3A_791, %select_n3A_790 : i32
        %select_n3A_801 = arith.select %and3A_799, %add3A_800, %rem3A_791 : i32
        %mul3A_802 = arith.constant 64 : i32
        %mul3A_803 = arith.muli %select_n3A_801, %mul3A_802 : i32
        %add3A_804 = arith.constant 4 : i32
        %add3A_805 = arith.addi %sub3A_138, %add3A_804 : i32
        %dma_start3A_806 = arith.constant 0 : i32
        %dma_start3A_807 = arith.constant 0 : i32
        %dma_start3A_808 = tpu.memref_slice %arg6[%add3A_805, %dma_start3A_806, %dma_start3A_807] : memref<10x64x128xf32, #tpu.memory_space<vmem>> -> memref<1x64x128xf32, #tpu.memory_space<vmem>>
        %dma_start3A_809 = tpu.memref_squeeze %dma_start3A_808 : memref<1x64x128xf32, #tpu.memory_space<vmem>> -> memref<64x128xf32, #tpu.memory_space<vmem>>
        %dma_start3A_810 = tpu.memref_slice %arg5[%select_n3A_785, %mul3A_803] : memref<50x128xi32, #tpu.memory_space<vmem>> -> memref<1x64xi32, #tpu.memory_space<vmem>>
        %dma_start3A_811 = tpu.memref_squeeze %dma_start3A_810 : memref<1x64xi32, #tpu.memory_space<vmem>> -> memref<64xi32, #tpu.memory_space<vmem>>
        %dma_start3A_812 = arith.constant 0 : i32
        %dma_start3A_813 = arith.constant 0 : i32
        %dma_start3A_814 = tpu.memref_slice %arg3[%dma_start3A_812, %dma_start3A_813] : memref<1000000x128xf32, #tpu.memory_space<hbm>> -> memref<1000000x128xf32, #tpu.memory_space<hbm>>
        tpu.enqueue_indirect_dma source(%dma_start3A_814 : memref<1000000x128xf32, #tpu.memory_space<hbm>>) target(%dma_start3A_809 : memref<64x128xf32, #tpu.memory_space<vmem>>) offsets(%dma_start3A_811 : memref<64xi32, #tpu.memory_space<vmem>>) semaphore(%arg7 : memref<!tpu.dma_semaphore, #tpu.memory_space<semaphore_mem>>)
      } else {
      }
      %add3A_207 = arith.constant 0 : i32
      %add3A_208 = arith.addi %mul3A_137, %add3A_207 : i32
      %mul3A_209 = arith.constant 5 : i32
      %mul3A_210 = arith.muli %add3A_134, %mul3A_209 : i32
      %add3A_211 = arith.constant 0 : i32
      %add3A_212 = arith.addi %mul3A_210, %add3A_211 : i32
      %jit3A = arith.constant 2 : i32
      %div3A = arith.divsi %add3A_212, %jit3A : i32
      %sign3A = arith.constant 0 : i32
      %sign3A_213 = arith.cmpi sgt, %add3A_212, %sign3A : i32
      %sign3A_214 = arith.extui %sign3A_213 : i1 to i32
      %sign3A_215 = arith.constant 0 : i32
      %sign3A_216 = arith.cmpi slt, %add3A_212, %sign3A_215 : i32
      %sign3A_217 = arith.extui %sign3A_216 : i1 to i32
      %sign3A_218 = arith.subi %sign3A_214, %sign3A_217 : i32
      %sign3A_219 = arith.constant 0 : i32
      %sign3A_220 = arith.cmpi sgt, %jit3A, %sign3A_219 : i32
      %sign3A_221 = arith.extui %sign3A_220 : i1 to i32
      %sign3A_222 = arith.constant 0 : i32
      %sign3A_223 = arith.cmpi slt, %jit3A, %sign3A_222 : i32
      %sign3A_224 = arith.extui %sign3A_223 : i1 to i32
      %sign3A_225 = arith.subi %sign3A_221, %sign3A_224 : i32
      %ne3A = arith.cmpi ne, %sign3A_218, %sign3A_225 : i32
      %rem3A_226 = arith.remsi %add3A_212, %jit3A : i32
      %ne3A_227 = arith.constant 0 : i32
      %ne3A_228 = arith.cmpi ne, %rem3A_226, %ne3A_227 : i32
      %and3A = arith.andi %ne3A, %ne3A_228 : i1
      %sub3A_229 = arith.constant 1 : i32
      %sub3A_230 = arith.subi %div3A, %sub3A_229 : i32
      %select_n3A = arith.select %and3A, %sub3A_230, %div3A : i32
      %mul3A_231 = arith.constant 4096 : i32
      %mul3A_232 = arith.muli %select_n3A, %mul3A_231 : i32
      %add3A_233 = arith.addi %mul3A_232, %mul3A_2 : i32
      %jit3A_234 = arith.constant 2 : i32
      %eq3A = arith.constant 0 : i32
      %eq3A_235 = arith.cmpi eq, %jit3A_234, %eq3A : i32
      %jit3A_236 = arith.constant 1 : i32
      %select_n3A_237 = arith.select %eq3A_235, %jit3A_236, %jit3A_234 : i32
      %rem3A_238 = arith.remsi %add3A_212, %select_n3A_237 : i32
      %ne3A_239 = arith.constant 0 : i32
      %ne3A_240 = arith.cmpi ne, %rem3A_238, %ne3A_239 : i32
      %lt3A_241 = arith.constant 0 : i32
      %lt3A_242 = arith.cmpi slt, %rem3A_238, %lt3A_241 : i32
      %lt3A_243 = arith.constant 0 : i32
      %lt3A_244 = arith.cmpi slt, %select_n3A_237, %lt3A_243 : i32
      %ne3A_245 = arith.xori %lt3A_242, %lt3A_244 : i1
      %and3A_246 = arith.andi %ne3A_245, %ne3A_240 : i1
      %add3A_247 = arith.addi %rem3A_238, %select_n3A_237 : i32
      %select_n3A_248 = arith.select %and3A_246, %add3A_247, %rem3A_238 : i32
      %mul3A_249 = arith.constant 64 : i32
      %mul3A_250 = arith.muli %select_n3A_248, %mul3A_249 : i32
      %add3A_251 = arith.addi %add3A_233, %mul3A_250 : i32
      %dma_start3A_252 = arith.constant 0 : i32
      %dma_start3A_253 = arith.constant 0 : i32
      %dma_start3A_254 = tpu.memref_slice %arg6[%add3A_208, %dma_start3A_252, %dma_start3A_253] : memref<10x64x128xf32, #tpu.memory_space<vmem>> -> memref<1x64x128xf32, #tpu.memory_space<vmem>>
      %dma_start3A_255 = tpu.memref_squeeze %dma_start3A_254 : memref<1x64x128xf32, #tpu.memory_space<vmem>> -> memref<64x128xf32, #tpu.memory_space<vmem>>
      %dma_start3A_256 = arith.constant 0 : i32
      %dma_start3A_257 = tpu.memref_slice %arg4[%add3A_251, %dma_start3A_256] : memref<204800x128xf32, #tpu.memory_space<hbm>> -> memref<64x128xf32, #tpu.memory_space<hbm>>
      %dma_start3A_258 = arith.constant 0 : i32
      %dma_start3A_259 = tpu.memref_slice %arg4[%add3A_251, %dma_start3A_258] : memref<204800x128xf32, #tpu.memory_space<hbm>> -> memref<64x128xf32, #tpu.memory_space<hbm>>
      %dma_start3A_260 = arith.constant 0 : i32
      %dma_start3A_261 = arith.constant 0 : i32
      %dma_start3A_262 = tpu.memref_slice %arg6[%add3A_208, %dma_start3A_260, %dma_start3A_261] : memref<10x64x128xf32, #tpu.memory_space<vmem>> -> memref<1x64x128xf32, #tpu.memory_space<vmem>>
      %dma_start3A_263 = tpu.memref_squeeze %dma_start3A_262 : memref<1x64x128xf32, #tpu.memory_space<vmem>> -> memref<64x128xf32, #tpu.memory_space<vmem>>
      tpu.enqueue_dma source(%dma_start3A_263 : memref<64x128xf32, #tpu.memory_space<vmem>>) target(%dma_start3A_259 : memref<64x128xf32, #tpu.memory_space<hbm>>) target_semaphore(%arg8 : memref<!tpu.dma_semaphore, #tpu.memory_space<semaphore_mem>>)
      %add3A_264 = arith.constant 1 : i32
      %add3A_265 = arith.addi %mul3A_137, %add3A_264 : i32
      %mul3A_266 = arith.constant 5 : i32
      %mul3A_267 = arith.muli %add3A_134, %mul3A_266 : i32
      %add3A_268 = arith.constant 1 : i32
      %add3A_269 = arith.addi %mul3A_267, %add3A_268 : i32
      %jit3A_270 = arith.constant 2 : i32
      %div3A_271 = arith.divsi %add3A_269, %jit3A_270 : i32
      %sign3A_272 = arith.constant 0 : i32
      %sign3A_273 = arith.cmpi sgt, %add3A_269, %sign3A_272 : i32
      %sign3A_274 = arith.extui %sign3A_273 : i1 to i32
      %sign3A_275 = arith.constant 0 : i32
      %sign3A_276 = arith.cmpi slt, %add3A_269, %sign3A_275 : i32
      %sign3A_277 = arith.extui %sign3A_276 : i1 to i32
      %sign3A_278 = arith.subi %sign3A_274, %sign3A_277 : i32
      %sign3A_279 = arith.constant 0 : i32
      %sign3A_280 = arith.cmpi sgt, %jit3A_270, %sign3A_279 : i32
      %sign3A_281 = arith.extui %sign3A_280 : i1 to i32
      %sign3A_282 = arith.constant 0 : i32
      %sign3A_283 = arith.cmpi slt, %jit3A_270, %sign3A_282 : i32
      %sign3A_284 = arith.extui %sign3A_283 : i1 to i32
      %sign3A_285 = arith.subi %sign3A_281, %sign3A_284 : i32
      %ne3A_286 = arith.cmpi ne, %sign3A_278, %sign3A_285 : i32
      %rem3A_287 = arith.remsi %add3A_269, %jit3A_270 : i32
      %ne3A_288 = arith.constant 0 : i32
      %ne3A_289 = arith.cmpi ne, %rem3A_287, %ne3A_288 : i32
      %and3A_290 = arith.andi %ne3A_286, %ne3A_289 : i1
      %sub3A_291 = arith.constant 1 : i32
      %sub3A_292 = arith.subi %div3A_271, %sub3A_291 : i32
      %select_n3A_293 = arith.select %and3A_290, %sub3A_292, %div3A_271 : i32
      %mul3A_294 = arith.constant 4096 : i32
      %mul3A_295 = arith.muli %select_n3A_293, %mul3A_294 : i32
      %add3A_296 = arith.addi %mul3A_295, %mul3A_2 : i32
      %jit3A_297 = arith.constant 2 : i32
      %eq3A_298 = arith.constant 0 : i32
      %eq3A_299 = arith.cmpi eq, %jit3A_297, %eq3A_298 : i32
      %jit3A_300 = arith.constant 1 : i32
      %select_n3A_301 = arith.select %eq3A_299, %jit3A_300, %jit3A_297 : i32
      %rem3A_302 = arith.remsi %add3A_269, %select_n3A_301 : i32
      %ne3A_303 = arith.constant 0 : i32
      %ne3A_304 = arith.cmpi ne, %rem3A_302, %ne3A_303 : i32
      %lt3A_305 = arith.constant 0 : i32
      %lt3A_306 = arith.cmpi slt, %rem3A_302, %lt3A_305 : i32
      %lt3A_307 = arith.constant 0 : i32
      %lt3A_308 = arith.cmpi slt, %select_n3A_301, %lt3A_307 : i32
      %ne3A_309 = arith.xori %lt3A_306, %lt3A_308 : i1
      %and3A_310 = arith.andi %ne3A_309, %ne3A_304 : i1
      %add3A_311 = arith.addi %rem3A_302, %select_n3A_301 : i32
      %select_n3A_312 = arith.select %and3A_310, %add3A_311, %rem3A_302 : i32
      %mul3A_313 = arith.constant 64 : i32
      %mul3A_314 = arith.muli %select_n3A_312, %mul3A_313 : i32
      %add3A_315 = arith.addi %add3A_296, %mul3A_314 : i32
      %dma_start3A_316 = arith.constant 0 : i32
      %dma_start3A_317 = arith.constant 0 : i32
      %dma_start3A_318 = tpu.memref_slice %arg6[%add3A_265, %dma_start3A_316, %dma_start3A_317] : memref<10x64x128xf32, #tpu.memory_space<vmem>> -> memref<1x64x128xf32, #tpu.memory_space<vmem>>
      %dma_start3A_319 = tpu.memref_squeeze %dma_start3A_318 : memref<1x64x128xf32, #tpu.memory_space<vmem>> -> memref<64x128xf32, #tpu.memory_space<vmem>>
      %dma_start3A_320 = arith.constant 0 : i32
      %dma_start3A_321 = tpu.memref_slice %arg4[%add3A_315, %dma_start3A_320] : memref<204800x128xf32, #tpu.memory_space<hbm>> -> memref<64x128xf32, #tpu.memory_space<hbm>>
      %dma_start3A_322 = arith.constant 0 : i32
      %dma_start3A_323 = tpu.memref_slice %arg4[%add3A_315, %dma_start3A_322] : memref<204800x128xf32, #tpu.memory_space<hbm>> -> memref<64x128xf32, #tpu.memory_space<hbm>>
      %dma_start3A_324 = arith.constant 0 : i32
      %dma_start3A_325 = arith.constant 0 : i32
      %dma_start3A_326 = tpu.memref_slice %arg6[%add3A_265, %dma_start3A_324, %dma_start3A_325] : memref<10x64x128xf32, #tpu.memory_space<vmem>> -> memref<1x64x128xf32, #tpu.memory_space<vmem>>
      %dma_start3A_327 = tpu.memref_squeeze %dma_start3A_326 : memref<1x64x128xf32, #tpu.memory_space<vmem>> -> memref<64x128xf32, #tpu.memory_space<vmem>>
      tpu.enqueue_dma source(%dma_start3A_327 : memref<64x128xf32, #tpu.memory_space<vmem>>) target(%dma_start3A_323 : memref<64x128xf32, #tpu.memory_space<hbm>>) target_semaphore(%arg8 : memref<!tpu.dma_semaphore, #tpu.memory_space<semaphore_mem>>)
      %add3A_328 = arith.constant 2 : i32
      %add3A_329 = arith.addi %mul3A_137, %add3A_328 : i32
      %mul3A_330 = arith.constant 5 : i32
      %mul3A_331 = arith.muli %add3A_134, %mul3A_330 : i32
      %add3A_332 = arith.constant 2 : i32
      %add3A_333 = arith.addi %mul3A_331, %add3A_332 : i32
      %jit3A_334 = arith.constant 2 : i32
      %div3A_335 = arith.divsi %add3A_333, %jit3A_334 : i32
      %sign3A_336 = arith.constant 0 : i32
      %sign3A_337 = arith.cmpi sgt, %add3A_333, %sign3A_336 : i32
      %sign3A_338 = arith.extui %sign3A_337 : i1 to i32
      %sign3A_339 = arith.constant 0 : i32
      %sign3A_340 = arith.cmpi slt, %add3A_333, %sign3A_339 : i32
      %sign3A_341 = arith.extui %sign3A_340 : i1 to i32
      %sign3A_342 = arith.subi %sign3A_338, %sign3A_341 : i32
      %sign3A_343 = arith.constant 0 : i32
      %sign3A_344 = arith.cmpi sgt, %jit3A_334, %sign3A_343 : i32
      %sign3A_345 = arith.extui %sign3A_344 : i1 to i32
      %sign3A_346 = arith.constant 0 : i32
      %sign3A_347 = arith.cmpi slt, %jit3A_334, %sign3A_346 : i32
      %sign3A_348 = arith.extui %sign3A_347 : i1 to i32
      %sign3A_349 = arith.subi %sign3A_345, %sign3A_348 : i32
      %ne3A_350 = arith.cmpi ne, %sign3A_342, %sign3A_349 : i32
      %rem3A_351 = arith.remsi %add3A_333, %jit3A_334 : i32
      %ne3A_352 = arith.constant 0 : i32
      %ne3A_353 = arith.cmpi ne, %rem3A_351, %ne3A_352 : i32
      %and3A_354 = arith.andi %ne3A_350, %ne3A_353 : i1
      %sub3A_355 = arith.constant 1 : i32
      %sub3A_356 = arith.subi %div3A_335, %sub3A_355 : i32
      %select_n3A_357 = arith.select %and3A_354, %sub3A_356, %div3A_335 : i32
      %mul3A_358 = arith.constant 4096 : i32
      %mul3A_359 = arith.muli %select_n3A_357, %mul3A_358 : i32
      %add3A_360 = arith.addi %mul3A_359, %mul3A_2 : i32
      %jit3A_361 = arith.constant 2 : i32
      %eq3A_362 = arith.constant 0 : i32
      %eq3A_363 = arith.cmpi eq, %jit3A_361, %eq3A_362 : i32
      %jit3A_364 = arith.constant 1 : i32
      %select_n3A_365 = arith.select %eq3A_363, %jit3A_364, %jit3A_361 : i32
      %rem3A_366 = arith.remsi %add3A_333, %select_n3A_365 : i32
      %ne3A_367 = arith.constant 0 : i32
      %ne3A_368 = arith.cmpi ne, %rem3A_366, %ne3A_367 : i32
      %lt3A_369 = arith.constant 0 : i32
      %lt3A_370 = arith.cmpi slt, %rem3A_366, %lt3A_369 : i32
      %lt3A_371 = arith.constant 0 : i32
      %lt3A_372 = arith.cmpi slt, %select_n3A_365, %lt3A_371 : i32
      %ne3A_373 = arith.xori %lt3A_370, %lt3A_372 : i1
      %and3A_374 = arith.andi %ne3A_373, %ne3A_368 : i1
      %add3A_375 = arith.addi %rem3A_366, %select_n3A_365 : i32
      %select_n3A_376 = arith.select %and3A_374, %add3A_375, %rem3A_366 : i32
      %mul3A_377 = arith.constant 64 : i32
      %mul3A_378 = arith.muli %select_n3A_376, %mul3A_377 : i32
      %add3A_379 = arith.addi %add3A_360, %mul3A_378 : i32
      %dma_start3A_380 = arith.constant 0 : i32
      %dma_start3A_381 = arith.constant 0 : i32
      %dma_start3A_382 = tpu.memref_slice %arg6[%add3A_329, %dma_start3A_380, %dma_start3A_381] : memref<10x64x128xf32, #tpu.memory_space<vmem>> -> memref<1x64x128xf32, #tpu.memory_space<vmem>>
      %dma_start3A_383 = tpu.memref_squeeze %dma_start3A_382 : memref<1x64x128xf32, #tpu.memory_space<vmem>> -> memref<64x128xf32, #tpu.memory_space<vmem>>
      %dma_start3A_384 = arith.constant 0 : i32
      %dma_start3A_385 = tpu.memref_slice %arg4[%add3A_379, %dma_start3A_384] : memref<204800x128xf32, #tpu.memory_space<hbm>> -> memref<64x128xf32, #tpu.memory_space<hbm>>
      %dma_start3A_386 = arith.constant 0 : i32
      %dma_start3A_387 = tpu.memref_slice %arg4[%add3A_379, %dma_start3A_386] : memref<204800x128xf32, #tpu.memory_space<hbm>> -> memref<64x128xf32, #tpu.memory_space<hbm>>
      %dma_start3A_388 = arith.constant 0 : i32
      %dma_start3A_389 = arith.constant 0 : i32
      %dma_start3A_390 = tpu.memref_slice %arg6[%add3A_329, %dma_start3A_388, %dma_start3A_389] : memref<10x64x128xf32, #tpu.memory_space<vmem>> -> memref<1x64x128xf32, #tpu.memory_space<vmem>>
      %dma_start3A_391 = tpu.memref_squeeze %dma_start3A_390 : memref<1x64x128xf32, #tpu.memory_space<vmem>> -> memref<64x128xf32, #tpu.memory_space<vmem>>
      tpu.enqueue_dma source(%dma_start3A_391 : memref<64x128xf32, #tpu.memory_space<vmem>>) target(%dma_start3A_387 : memref<64x128xf32, #tpu.memory_space<hbm>>) target_semaphore(%arg8 : memref<!tpu.dma_semaphore, #tpu.memory_space<semaphore_mem>>)
      %add3A_392 = arith.constant 3 : i32
      %add3A_393 = arith.addi %mul3A_137, %add3A_392 : i32
      %mul3A_394 = arith.constant 5 : i32
      %mul3A_395 = arith.muli %add3A_134, %mul3A_394 : i32
      %add3A_396 = arith.constant 3 : i32
      %add3A_397 = arith.addi %mul3A_395, %add3A_396 : i32
      %jit3A_398 = arith.constant 2 : i32
      %div3A_399 = arith.divsi %add3A_397, %jit3A_398 : i32
      %sign3A_400 = arith.constant 0 : i32
      %sign3A_401 = arith.cmpi sgt, %add3A_397, %sign3A_400 : i32
      %sign3A_402 = arith.extui %sign3A_401 : i1 to i32
      %sign3A_403 = arith.constant 0 : i32
      %sign3A_404 = arith.cmpi slt, %add3A_397, %sign3A_403 : i32
      %sign3A_405 = arith.extui %sign3A_404 : i1 to i32
      %sign3A_406 = arith.subi %sign3A_402, %sign3A_405 : i32
      %sign3A_407 = arith.constant 0 : i32
      %sign3A_408 = arith.cmpi sgt, %jit3A_398, %sign3A_407 : i32
      %sign3A_409 = arith.extui %sign3A_408 : i1 to i32
      %sign3A_410 = arith.constant 0 : i32
      %sign3A_411 = arith.cmpi slt, %jit3A_398, %sign3A_410 : i32
      %sign3A_412 = arith.extui %sign3A_411 : i1 to i32
      %sign3A_413 = arith.subi %sign3A_409, %sign3A_412 : i32
      %ne3A_414 = arith.cmpi ne, %sign3A_406, %sign3A_413 : i32
      %rem3A_415 = arith.remsi %add3A_397, %jit3A_398 : i32
      %ne3A_416 = arith.constant 0 : i32
      %ne3A_417 = arith.cmpi ne, %rem3A_415, %ne3A_416 : i32
      %and3A_418 = arith.andi %ne3A_414, %ne3A_417 : i1
      %sub3A_419 = arith.constant 1 : i32
      %sub3A_420 = arith.subi %div3A_399, %sub3A_419 : i32
      %select_n3A_421 = arith.select %and3A_418, %sub3A_420, %div3A_399 : i32
      %mul3A_422 = arith.constant 4096 : i32
      %mul3A_423 = arith.muli %select_n3A_421, %mul3A_422 : i32
      %add3A_424 = arith.addi %mul3A_423, %mul3A_2 : i32
      %jit3A_425 = arith.constant 2 : i32
      %eq3A_426 = arith.constant 0 : i32
      %eq3A_427 = arith.cmpi eq, %jit3A_425, %eq3A_426 : i32
      %jit3A_428 = arith.constant 1 : i32
      %select_n3A_429 = arith.select %eq3A_427, %jit3A_428, %jit3A_425 : i32
      %rem3A_430 = arith.remsi %add3A_397, %select_n3A_429 : i32
      %ne3A_431 = arith.constant 0 : i32
      %ne3A_432 = arith.cmpi ne, %rem3A_430, %ne3A_431 : i32
      %lt3A_433 = arith.constant 0 : i32
      %lt3A_434 = arith.cmpi slt, %rem3A_430, %lt3A_433 : i32
      %lt3A_435 = arith.constant 0 : i32
      %lt3A_436 = arith.cmpi slt, %select_n3A_429, %lt3A_435 : i32
      %ne3A_437 = arith.xori %lt3A_434, %lt3A_436 : i1
      %and3A_438 = arith.andi %ne3A_437, %ne3A_432 : i1
      %add3A_439 = arith.addi %rem3A_430, %select_n3A_429 : i32
      %select_n3A_440 = arith.select %and3A_438, %add3A_439, %rem3A_430 : i32
      %mul3A_441 = arith.constant 64 : i32
      %mul3A_442 = arith.muli %select_n3A_440, %mul3A_441 : i32
      %add3A_443 = arith.addi %add3A_424, %mul3A_442 : i32
      %dma_start3A_444 = arith.constant 0 : i32
      %dma_start3A_445 = arith.constant 0 : i32
      %dma_start3A_446 = tpu.memref_slice %arg6[%add3A_393, %dma_start3A_444, %dma_start3A_445] : memref<10x64x128xf32, #tpu.memory_space<vmem>> -> memref<1x64x128xf32, #tpu.memory_space<vmem>>
      %dma_start3A_447 = tpu.memref_squeeze %dma_start3A_446 : memref<1x64x128xf32, #tpu.memory_space<vmem>> -> memref<64x128xf32, #tpu.memory_space<vmem>>
      %dma_start3A_448 = arith.constant 0 : i32
      %dma_start3A_449 = tpu.memref_slice %arg4[%add3A_443, %dma_start3A_448] : memref<204800x128xf32, #tpu.memory_space<hbm>> -> memref<64x128xf32, #tpu.memory_space<hbm>>
      %dma_start3A_450 = arith.constant 0 : i32
      %dma_start3A_451 = tpu.memref_slice %arg4[%add3A_443, %dma_start3A_450] : memref<204800x128xf32, #tpu.memory_space<hbm>> -> memref<64x128xf32, #tpu.memory_space<hbm>>
      %dma_start3A_452 = arith.constant 0 : i32
      %dma_start3A_453 = arith.constant 0 : i32
      %dma_start3A_454 = tpu.memref_slice %arg6[%add3A_393, %dma_start3A_452, %dma_start3A_453] : memref<10x64x128xf32, #tpu.memory_space<vmem>> -> memref<1x64x128xf32, #tpu.memory_space<vmem>>
      %dma_start3A_455 = tpu.memref_squeeze %dma_start3A_454 : memref<1x64x128xf32, #tpu.memory_space<vmem>> -> memref<64x128xf32, #tpu.memory_space<vmem>>
      tpu.enqueue_dma source(%dma_start3A_455 : memref<64x128xf32, #tpu.memory_space<vmem>>) target(%dma_start3A_451 : memref<64x128xf32, #tpu.memory_space<hbm>>) target_semaphore(%arg8 : memref<!tpu.dma_semaphore, #tpu.memory_space<semaphore_mem>>)
      %add3A_456 = arith.constant 4 : i32
      %add3A_457 = arith.addi %mul3A_137, %add3A_456 : i32
      %mul3A_458 = arith.constant 5 : i32
      %mul3A_459 = arith.muli %add3A_134, %mul3A_458 : i32
      %add3A_460 = arith.constant 4 : i32
      %add3A_461 = arith.addi %mul3A_459, %add3A_460 : i32
      %jit3A_462 = arith.constant 2 : i32
      %div3A_463 = arith.divsi %add3A_461, %jit3A_462 : i32
      %sign3A_464 = arith.constant 0 : i32
      %sign3A_465 = arith.cmpi sgt, %add3A_461, %sign3A_464 : i32
      %sign3A_466 = arith.extui %sign3A_465 : i1 to i32
      %sign3A_467 = arith.constant 0 : i32
      %sign3A_468 = arith.cmpi slt, %add3A_461, %sign3A_467 : i32
      %sign3A_469 = arith.extui %sign3A_468 : i1 to i32
      %sign3A_470 = arith.subi %sign3A_466, %sign3A_469 : i32
      %sign3A_471 = arith.constant 0 : i32
      %sign3A_472 = arith.cmpi sgt, %jit3A_462, %sign3A_471 : i32
      %sign3A_473 = arith.extui %sign3A_472 : i1 to i32
      %sign3A_474 = arith.constant 0 : i32
      %sign3A_475 = arith.cmpi slt, %jit3A_462, %sign3A_474 : i32
      %sign3A_476 = arith.extui %sign3A_475 : i1 to i32
      %sign3A_477 = arith.subi %sign3A_473, %sign3A_476 : i32
      %ne3A_478 = arith.cmpi ne, %sign3A_470, %sign3A_477 : i32
      %rem3A_479 = arith.remsi %add3A_461, %jit3A_462 : i32
      %ne3A_480 = arith.constant 0 : i32
      %ne3A_481 = arith.cmpi ne, %rem3A_479, %ne3A_480 : i32
      %and3A_482 = arith.andi %ne3A_478, %ne3A_481 : i1
      %sub3A_483 = arith.constant 1 : i32
      %sub3A_484 = arith.subi %div3A_463, %sub3A_483 : i32
      %select_n3A_485 = arith.select %and3A_482, %sub3A_484, %div3A_463 : i32
      %mul3A_486 = arith.constant 4096 : i32
      %mul3A_487 = arith.muli %select_n3A_485, %mul3A_486 : i32
      %add3A_488 = arith.addi %mul3A_487, %mul3A_2 : i32
      %jit3A_489 = arith.constant 2 : i32
      %eq3A_490 = arith.constant 0 : i32
      %eq3A_491 = arith.cmpi eq, %jit3A_489, %eq3A_490 : i32
      %jit3A_492 = arith.constant 1 : i32
      %select_n3A_493 = arith.select %eq3A_491, %jit3A_492, %jit3A_489 : i32
      %rem3A_494 = arith.remsi %add3A_461, %select_n3A_493 : i32
      %ne3A_495 = arith.constant 0 : i32
      %ne3A_496 = arith.cmpi ne, %rem3A_494, %ne3A_495 : i32
      %lt3A_497 = arith.constant 0 : i32
      %lt3A_498 = arith.cmpi slt, %rem3A_494, %lt3A_497 : i32
      %lt3A_499 = arith.constant 0 : i32
      %lt3A_500 = arith.cmpi slt, %select_n3A_493, %lt3A_499 : i32
      %ne3A_501 = arith.xori %lt3A_498, %lt3A_500 : i1
      %and3A_502 = arith.andi %ne3A_501, %ne3A_496 : i1
      %add3A_503 = arith.addi %rem3A_494, %select_n3A_493 : i32
      %select_n3A_504 = arith.select %and3A_502, %add3A_503, %rem3A_494 : i32
      %mul3A_505 = arith.constant 64 : i32
      %mul3A_506 = arith.muli %select_n3A_504, %mul3A_505 : i32
      %add3A_507 = arith.addi %add3A_488, %mul3A_506 : i32
      %dma_start3A_508 = arith.constant 0 : i32
      %dma_start3A_509 = arith.constant 0 : i32
      %dma_start3A_510 = tpu.memref_slice %arg6[%add3A_457, %dma_start3A_508, %dma_start3A_509] : memref<10x64x128xf32, #tpu.memory_space<vmem>> -> memref<1x64x128xf32, #tpu.memory_space<vmem>>
      %dma_start3A_511 = tpu.memref_squeeze %dma_start3A_510 : memref<1x64x128xf32, #tpu.memory_space<vmem>> -> memref<64x128xf32, #tpu.memory_space<vmem>>
      %dma_start3A_512 = arith.constant 0 : i32
      %dma_start3A_513 = tpu.memref_slice %arg4[%add3A_507, %dma_start3A_512] : memref<204800x128xf32, #tpu.memory_space<hbm>> -> memref<64x128xf32, #tpu.memory_space<hbm>>
      %dma_start3A_514 = arith.constant 0 : i32
      %dma_start3A_515 = tpu.memref_slice %arg4[%add3A_507, %dma_start3A_514] : memref<204800x128xf32, #tpu.memory_space<hbm>> -> memref<64x128xf32, #tpu.memory_space<hbm>>
      %dma_start3A_516 = arith.constant 0 : i32
      %dma_start3A_517 = arith.constant 0 : i32
      %dma_start3A_518 = tpu.memref_slice %arg6[%add3A_457, %dma_start3A_516, %dma_start3A_517] : memref<10x64x128xf32, #tpu.memory_space<vmem>> -> memref<1x64x128xf32, #tpu.memory_space<vmem>>
      %dma_start3A_519 = tpu.memref_squeeze %dma_start3A_518 : memref<1x64x128xf32, #tpu.memory_space<vmem>> -> memref<64x128xf32, #tpu.memory_space<vmem>>
      tpu.enqueue_dma source(%dma_start3A_519 : memref<64x128xf32, #tpu.memory_space<vmem>>) target(%dma_start3A_515 : memref<64x128xf32, #tpu.memory_space<hbm>>) target_semaphore(%arg8 : memref<!tpu.dma_semaphore, #tpu.memory_space<semaphore_mem>>)
    }
    %scan3A_65 = arith.constant 20 : i32
    %dma_wait3A = arith.constant 0 : i32
    %dma_wait3A_66 = arith.constant 0 : i32
    %dma_wait3A_67 = arith.constant 0 : i32
    %dma_wait3A_68 = tpu.memref_slice %arg6[%dma_wait3A, %dma_wait3A_66, %dma_wait3A_67] : memref<10x64x128xf32, #tpu.memory_space<vmem>> -> memref<1x64x128xf32, #tpu.memory_space<vmem>>
    %dma_wait3A_69 = tpu.memref_squeeze %dma_wait3A_68 : memref<1x64x128xf32, #tpu.memory_space<vmem>> -> memref<64x128xf32, #tpu.memory_space<vmem>>
    %dma_wait3A_70 = arith.constant 0 : i32
    %dma_wait3A_71 = tpu.memref_slice %arg4[%mul3A_2, %dma_wait3A_70] : memref<204800x128xf32, #tpu.memory_space<hbm>> -> memref<64x128xf32, #tpu.memory_space<hbm>>
    %dma_wait3A_72 = arith.constant 0 : i32
    %dma_wait3A_73 = tpu.memref_slice %arg4[%mul3A_2, %dma_wait3A_72] : memref<204800x128xf32, #tpu.memory_space<hbm>> -> memref<64x128xf32, #tpu.memory_space<hbm>>
    %dma_wait3A_74 = arith.constant 0 : i32
    %dma_wait3A_75 = arith.constant 0 : i32
    %dma_wait3A_76 = tpu.memref_slice %arg6[%dma_wait3A, %dma_wait3A_74, %dma_wait3A_75] : memref<10x64x128xf32, #tpu.memory_space<vmem>> -> memref<1x64x128xf32, #tpu.memory_space<vmem>>
    %dma_wait3A_77 = tpu.memref_squeeze %dma_wait3A_76 : memref<1x64x128xf32, #tpu.memory_space<vmem>> -> memref<64x128xf32, #tpu.memory_space<vmem>>
    tpu.wait_dma2 semaphore(%arg8 : memref<!tpu.dma_semaphore, #tpu.memory_space<semaphore_mem>>) src(%dma_wait3A_77 : memref<64x128xf32, #tpu.memory_space<vmem>>) dst(%dma_wait3A_73 : memref<64x128xf32, #tpu.memory_space<hbm>>)
    %dma_wait3A_78 = arith.constant 0 : i32
    %dma_wait3A_79 = arith.constant 0 : i32
    %dma_wait3A_80 = arith.constant 0 : i32
    %dma_wait3A_81 = tpu.memref_slice %arg6[%dma_wait3A_78, %dma_wait3A_79, %dma_wait3A_80] : memref<10x64x128xf32, #tpu.memory_space<vmem>> -> memref<1x64x128xf32, #tpu.memory_space<vmem>>
    %dma_wait3A_82 = tpu.memref_squeeze %dma_wait3A_81 : memref<1x64x128xf32, #tpu.memory_space<vmem>> -> memref<64x128xf32, #tpu.memory_space<vmem>>
    %dma_wait3A_83 = arith.constant 0 : i32
    %dma_wait3A_84 = tpu.memref_slice %arg4[%mul3A_2, %dma_wait3A_83] : memref<204800x128xf32, #tpu.memory_space<hbm>> -> memref<64x128xf32, #tpu.memory_space<hbm>>
    %dma_wait3A_85 = arith.constant 0 : i32
    %dma_wait3A_86 = tpu.memref_slice %arg4[%mul3A_2, %dma_wait3A_85] : memref<204800x128xf32, #tpu.memory_space<hbm>> -> memref<64x128xf32, #tpu.memory_space<hbm>>
    %dma_wait3A_87 = arith.constant 0 : i32
    %dma_wait3A_88 = arith.constant 0 : i32
    %dma_wait3A_89 = tpu.memref_slice %arg6[%dma_wait3A_78, %dma_wait3A_87, %dma_wait3A_88] : memref<10x64x128xf32, #tpu.memory_space<vmem>> -> memref<1x64x128xf32, #tpu.memory_space<vmem>>
    %dma_wait3A_90 = tpu.memref_squeeze %dma_wait3A_89 : memref<1x64x128xf32, #tpu.memory_space<vmem>> -> memref<64x128xf32, #tpu.memory_space<vmem>>
    tpu.wait_dma2 semaphore(%arg8 : memref<!tpu.dma_semaphore, #tpu.memory_space<semaphore_mem>>) src(%dma_wait3A_90 : memref<64x128xf32, #tpu.memory_space<vmem>>) dst(%dma_wait3A_86 : memref<64x128xf32, #tpu.memory_space<hbm>>)
    %dma_wait3A_91 = arith.constant 0 : i32
    %dma_wait3A_92 = arith.constant 0 : i32
    %dma_wait3A_93 = arith.constant 0 : i32
    %dma_wait3A_94 = tpu.memref_slice %arg6[%dma_wait3A_91, %dma_wait3A_92, %dma_wait3A_93] : memref<10x64x128xf32, #tpu.memory_space<vmem>> -> memref<1x64x128xf32, #tpu.memory_space<vmem>>
    %dma_wait3A_95 = tpu.memref_squeeze %dma_wait3A_94 : memref<1x64x128xf32, #tpu.memory_space<vmem>> -> memref<64x128xf32, #tpu.memory_space<vmem>>
    %dma_wait3A_96 = arith.constant 0 : i32
    %dma_wait3A_97 = tpu.memref_slice %arg4[%mul3A_2, %dma_wait3A_96] : memref<204800x128xf32, #tpu.memory_space<hbm>> -> memref<64x128xf32, #tpu.memory_space<hbm>>
    %dma_wait3A_98 = arith.constant 0 : i32
    %dma_wait3A_99 = tpu.memref_slice %arg4[%mul3A_2, %dma_wait3A_98] : memref<204800x128xf32, #tpu.memory_space<hbm>> -> memref<64x128xf32, #tpu.memory_space<hbm>>
    %dma_wait3A_100 = arith.constant 0 : i32
    %dma_wait3A_101 = arith.constant 0 : i32
    %dma_wait3A_102 = tpu.memref_slice %arg6[%dma_wait3A_91, %dma_wait3A_100, %dma_wait3A_101] : memref<10x64x128xf32, #tpu.memory_space<vmem>> -> memref<1x64x128xf32, #tpu.memory_space<vmem>>
    %dma_wait3A_103 = tpu.memref_squeeze %dma_wait3A_102 : memref<1x64x128xf32, #tpu.memory_space<vmem>> -> memref<64x128xf32, #tpu.memory_space<vmem>>
    tpu.wait_dma2 semaphore(%arg8 : memref<!tpu.dma_semaphore, #tpu.memory_space<semaphore_mem>>) src(%dma_wait3A_103 : memref<64x128xf32, #tpu.memory_space<vmem>>) dst(%dma_wait3A_99 : memref<64x128xf32, #tpu.memory_space<hbm>>)
    %dma_wait3A_104 = arith.constant 0 : i32
    %dma_wait3A_105 = arith.constant 0 : i32
    %dma_wait3A_106 = arith.constant 0 : i32
    %dma_wait3A_107 = tpu.memref_slice %arg6[%dma_wait3A_104, %dma_wait3A_105, %dma_wait3A_106] : memref<10x64x128xf32, #tpu.memory_space<vmem>> -> memref<1x64x128xf32, #tpu.memory_space<vmem>>
    %dma_wait3A_108 = tpu.memref_squeeze %dma_wait3A_107 : memref<1x64x128xf32, #tpu.memory_space<vmem>> -> memref<64x128xf32, #tpu.memory_space<vmem>>
    %dma_wait3A_109 = arith.constant 0 : i32
    %dma_wait3A_110 = tpu.memref_slice %arg4[%mul3A_2, %dma_wait3A_109] : memref<204800x128xf32, #tpu.memory_space<hbm>> -> memref<64x128xf32, #tpu.memory_space<hbm>>
    %dma_wait3A_111 = arith.constant 0 : i32
    %dma_wait3A_112 = tpu.memref_slice %arg4[%mul3A_2, %dma_wait3A_111] : memref<204800x128xf32, #tpu.memory_space<hbm>> -> memref<64x128xf32, #tpu.memory_space<hbm>>
    %dma_wait3A_113 = arith.constant 0 : i32
    %dma_wait3A_114 = arith.constant 0 : i32
    %dma_wait3A_115 = tpu.memref_slice %arg6[%dma_wait3A_104, %dma_wait3A_113, %dma_wait3A_114] : memref<10x64x128xf32, #tpu.memory_space<vmem>> -> memref<1x64x128xf32, #tpu.memory_space<vmem>>
    %dma_wait3A_116 = tpu.memref_squeeze %dma_wait3A_115 : memref<1x64x128xf32, #tpu.memory_space<vmem>> -> memref<64x128xf32, #tpu.memory_space<vmem>>
    tpu.wait_dma2 semaphore(%arg8 : memref<!tpu.dma_semaphore, #tpu.memory_space<semaphore_mem>>) src(%dma_wait3A_116 : memref<64x128xf32, #tpu.memory_space<vmem>>) dst(%dma_wait3A_112 : memref<64x128xf32, #tpu.memory_space<hbm>>)
    %dma_wait3A_117 = arith.constant 0 : i32
    %dma_wait3A_118 = arith.constant 0 : i32
    %dma_wait3A_119 = arith.constant 0 : i32
    %dma_wait3A_120 = tpu.memref_slice %arg6[%dma_wait3A_117, %dma_wait3A_118, %dma_wait3A_119] : memref<10x64x128xf32, #tpu.memory_space<vmem>> -> memref<1x64x128xf32, #tpu.memory_space<vmem>>
    %dma_wait3A_121 = tpu.memref_squeeze %dma_wait3A_120 : memref<1x64x128xf32, #tpu.memory_space<vmem>> -> memref<64x128xf32, #tpu.memory_space<vmem>>
    %dma_wait3A_122 = arith.constant 0 : i32
    %dma_wait3A_123 = tpu.memref_slice %arg4[%mul3A_2, %dma_wait3A_122] : memref<204800x128xf32, #tpu.memory_space<hbm>> -> memref<64x128xf32, #tpu.memory_space<hbm>>
    %dma_wait3A_124 = arith.constant 0 : i32
    %dma_wait3A_125 = tpu.memref_slice %arg4[%mul3A_2, %dma_wait3A_124] : memref<204800x128xf32, #tpu.memory_space<hbm>> -> memref<64x128xf32, #tpu.memory_space<hbm>>
    %dma_wait3A_126 = arith.constant 0 : i32
    %dma_wait3A_127 = arith.constant 0 : i32
    %dma_wait3A_128 = tpu.memref_slice %arg6[%dma_wait3A_117, %dma_wait3A_126, %dma_wait3A_127] : memref<10x64x128xf32, #tpu.memory_space<vmem>> -> memref<1x64x128xf32, #tpu.memory_space<vmem>>
    %dma_wait3A_129 = tpu.memref_squeeze %dma_wait3A_128 : memref<1x64x128xf32, #tpu.memory_space<vmem>> -> memref<64x128xf32, #tpu.memory_space<vmem>>
    tpu.wait_dma2 semaphore(%arg8 : memref<!tpu.dma_semaphore, #tpu.memory_space<semaphore_mem>>) src(%dma_wait3A_129 : memref<64x128xf32, #tpu.memory_space<vmem>>) dst(%dma_wait3A_125 : memref<64x128xf32, #tpu.memory_space<hbm>>)
    return
  }
}

</mosaic_0001>

<sc_bundles>
// kernel: kernel.3.cloned.1.call-start
scs
__scs_entry_jumppad:
0x0: {  	(pc) =	sbr.rel $0x88, $3  }
0x1: {  	(tag) =	ssettag $0x0;
	lr =	simm.s32 $0x1  }
0x2: {  	[smem:$0x3F9F] =	sst lr;
	_ =	strace $0xD0000000  }
0x3: {  	_ = 	snop  }
0x4: {  	_ = 	snop  }
0x5: {  	_ = 	snop  }
0x6: {  	_ = 	snop  }
0x7: {  	_ = 	snop  }
__scs_overlays_trampoline_lowered:
0x8: {  	[smem:$0x3FAE] =	sst s0  }
0x9: {  	[smem:$0x3FAF] =	sst s1  }
0xa: {  	[smem:$0x3FB0] =	sst s2  }
0xb: {  	[smem:$0x3FB1] =	sst s3  }
0xc: {  	[smem:$0x3FB2] =	sst s4  }
0xd: {  	[smem:$0x3FB3] =	sst s5  }
0xe: {  	[smem:$0x3FB4] =	sst s6  }
0xf: {  	[smem:$0x3FB5] =	sst s7  }
0x10: {  	[smem:$0x3FB6] =	sst s8  }
0x11: {  	[smem:$0x3FB7] =	sst s9;
	s0 =	simm.s32 @!p0 $0x0  }
0x12: {  	s1 =	sld [smem:$0x3F9D];
	s0 =	simm.s32 @p0 $0x1  }
0x13: {  	[smem:$0x3FB8] =	sst s0;
	s0 =	simm.s32 @!p1 $0x0  }
0x14: {  	s2 =	sld [smem:$0x3F9C];
	s0 =	simm.s32 @p1 $0x1  }
0x15: {  	[smem:$0x3FB9] =	sst s0;
	s0 =	simm.s32 @!p2 $0x0  }
0x16: {  	s3 =	sld [smem:$0x3FDB];
	s0 =	simm.s32 @p2 $0x1  }
0x17: {  	s4 =	simm.s32 $0x1BF5;
	[smem:$0x3FBB] =	sst s0  }
0x18: {  	s0 =	sld [smem:$0x3F9E];
	_ =	swait.ge [sflag:s4], $0x0  }
0x19: {  	s7 =	sld [smem:$0x3F9F]  }
0x1a: {  	s8 =	sadd.s32 $0xFFFFE003, lr  }
0x1b: {  	s9 =	sadd.s32 $0xFFFFFEF7, lr;
	s5 =	simm.s32 $0xFFFFFFFF;
	p2 =	slt.u32 s8, $0xFFFFF086  }
0x1c: {  	p1 =	slt.u32 s9, $0xF7A;
	s5 =	simm.s32 @!p2 $0x0  }
0x1d: {  	s5 =	simm.s32 @p1 $0x1;
	p0 =	seq.s32 s7, s2  }
0x1e: {  	s7 =	smul.u32 @!p0 $0xF7A, s2;
	p2 =	seq.s32 @!p0 s5, $0x0  }
0x1f: {  	s9 =	smul.u32 $0xF7A, s1;
	s8 =	simm.s32 @!p0 $0x1BF5;
	p2 =	por !p2, p0  }
0x20: {  	[sflag:s8] =	ssyncset.s32 @!p0 $0xFFFFF086;
	s6 =	sadd.s32 @!p0 s3, s7;
	s7 =	simm.s32 @!p0 $0x108  }
0x21: {  	s3 =	sadd.s32 s3, s9;
	s6 =	sadd.s32 @!p0 $0x88, s6;
	s7 =	simm.s32 @p2 $0x1082  }
0x22: {  	[simem:s7], [sflag:s8] =	dma.local @!p0 [hbm:s6], $0xF7A  }
0x23: {  	s9 =	sor.u32 $0xD0000000, s2;
	s6 =	simm.s32 $0x108;
	_ =	swait.ge @!p0 [sflag:s8], $0x0  }
0x24: {  	s3 =	sadd.s32 $0x88, s3;
	s6 =	simm.s32 @!p1 $0x1082;
	[sflag:s4] =	ssyncset.s32 $0xFFFFF086  }
0x25: {  	[simem:s6], [sflag:s4] =	dma.local [hbm:s3], $0xF7A  }
0x26: {  	[smem:$0x3F9F] =	sst s1;
	(tag) =	ssettag s2;
	_ =	strace s9  }
0x27: {  	s1 =	sld [smem:$0x3FAF]  }
0x28: {  	s2 =	sld [smem:$0x3FB0]  }
0x29: {  	s4 =	sld [smem:$0x3FB2]  }
0x2a: {  	p0 =	seq.s32 s5, $0x0;
	s5 =	sld [smem:$0x3FB3]  }
0x2b: {  	s6 =	sld [smem:$0x3FB4]  }
0x2c: {  	s7 =	sld [smem:$0x3FB5]  }
0x2d: {  	s3 =	simm.s32 $0x108;
	s8 =	sld [smem:$0x3FB6]  }
0x2e: {  	s3 =	simm.s32 @!p0 $0x1082;
	s9 =	sld [smem:$0x3FB7]  }
0x2f: {  	lr =	sadd.s32 s0, s3;
	s0 =	sld [smem:$0x3FAE]  }
0x30: {  	s3 =	sld [smem:$0x3FB1]  }
0x31: {  	[smem:$0x3FBA] =	sst s10  }
0x32: {  	s10 =	sld [smem:$0x3FB8];
	_ =	sdelay $0x3  }
0x33: {  	p0 =	seq.s32 s10, $0x1;
	s10 =	sld [smem:$0x3FBA];
	_ =	sdelay $0x3  }
0x34: {  	[smem:$0x3FBA] =	sst s10  }
0x35: {  	s10 =	sld [smem:$0x3FB9];
	_ =	sdelay $0x3  }
0x36: {  	p1 =	seq.s32 s10, $0x1;
	s10 =	sld [smem:$0x3FBA];
	_ =	sdelay $0x3  }
0x37: {  	[smem:$0x3FBA] =	sst s10  }
0x38: {  	s10 =	sld [smem:$0x3FBB]  }
0x39: {  	_ = 	snop;
	(pc) =	sbr.ind lr, $3  }
0x3a: {  	_ = 	snop  }
0x3b: {  	_ = 	snop  }
0x3c: {  	p2 =	seq.s32 s10, $0x1;
	s10 =	sld [smem:$0x3FBA]  }
0x3d: {  	_ =	shalt  }
0x3e: {  	_ =	shalt  }
0x3f: {  	_ =	shalt  }
0x40: {  	_ =	shalt  }
0x41: {  	_ =	shalt  }
0x42: {  	_ =	shalt  }
0x43: {  	_ =	shalt  }
0x44: {  	_ =	shalt  }
0x45: {  	_ =	shalt  }
0x46: {  	_ =	shalt  }
0x47: {  	_ =	shalt  }
0x48: {  	_ =	shalt  }
0x49: {  	_ =	shalt  }
0x4a: {  	_ =	shalt  }
0x4b: {  	_ =	shalt  }
0x4c: {  	_ =	shalt  }
0x4d: {  	_ =	shalt  }
0x4e: {  	_ =	shalt  }
0x4f: {  	_ =	shalt  }
0x50: {  	_ =	shalt  }
0x51: {  	_ =	shalt  }
0x52: {  	_ =	shalt  }
0x53: {  	_ =	shalt  }
0x54: {  	_ =	shalt  }
0x55: {  	_ =	shalt  }
0x56: {  	_ =	shalt  }
0x57: {  	_ =	shalt  }
0x58: {  	_ =	shalt  }
0x59: {  	_ =	shalt  }
0x5a: {  	_ =	shalt  }
0x5b: {  	_ =	shalt  }
0x5c: {  	_ =	shalt  }
0x5d: {  	_ =	shalt  }
0x5e: {  	_ =	shalt  }
0x5f: {  	_ =	shalt  }
0x60: {  	_ =	shalt  }
0x61: {  	_ =	shalt  }
0x62: {  	_ =	shalt  }
0x63: {  	_ =	shalt  }
0x64: {  	_ =	shalt  }
0x65: {  	_ =	shalt  }
0x66: {  	_ =	shalt  }
0x67: {  	_ =	shalt  }
0x68: {  	_ =	shalt  }
0x69: {  	_ =	shalt  }
0x6a: {  	_ =	shalt  }
0x6b: {  	_ =	shalt  }
0x6c: {  	_ =	shalt  }
0x6d: {  	_ =	shalt  }
0x6e: {  	_ =	shalt  }
0x6f: {  	_ =	shalt  }
0x70: {  	_ =	shalt  }
0x71: {  	_ =	shalt  }
0x72: {  	_ =	shalt  }
0x73: {  	_ =	shalt  }
0x74: {  	_ =	shalt  }
0x75: {  	_ =	shalt  }
0x76: {  	_ =	shalt  }
0x77: {  	_ =	shalt  }
0x78: {  	_ =	shalt  }
0x79: {  	_ =	shalt  }
0x7a: {  	_ =	shalt  }
0x7b: {  	_ =	shalt  }
0x7c: {  	_ =	shalt  }
0x7d: {  	_ =	shalt  }
0x7e: {  	_ =	shalt  }
0x7f: {  	_ =	shalt  }
0x80: {  	_ =	shalt  }
0x81: {  	_ =	shalt  }
0x82: {  	_ =	shalt  }
0x83: {  	_ =	shalt  }
0x84: {  	_ =	shalt  }
0x85: {  	_ =	shalt  }
0x86: {  	_ =	shalt  }
0x87: {  	_ =	shalt  }
.Lfunc_end0:
.L_simem_size_0:
called_computation.1_lowered:
.L_overlay_start_0:
0x88: {  	s2 =	sld [smem:$0x3FD9]  }
0x89: {  	s3 =	sld [smem:$0x3FFE];
	_ =	sdelay $0x1  }
0x8a: {  	s1 =	srdreg.scid  }
0x8b: {  	s0 =	sand.u32 $0x1, s1  }
0x8c: {  	s17 =	sshll.u32 s0, $0xA;
	s2 =	sadd.s32 s3, s2  }
0x8d: {  	s2 =	sadd.s32 s2, s17  }
0x8e: {  	[smem:$0x3FC6] =	sst s2  }
0x8f: {  	_ = 	snop  }
0x90: {  	s2 =	sld [smem:$0x3FC9];
	(tm) =	ssettm $0x1  }
0x91: {  	s18 =	sld [smem:$0x3FFB];
	_ =	sdelay $0x3  }
0x92: {  	_ =	strace s18  }
0x93: {  	s3 =	sld [smem:$0x3FFC];
	_ =	sdelay $0x3  }
0x94: {  	_ =	strace s3  }
0x95: {  	s3 =	sld [smem:$0x3FFD];
	_ =	sdelay $0x3  }
0x96: {  	_ =	strace s3  }
0x97: {  	_ =	strace $0x8FFFFFFF  }
0x98: {  	s19 =	sld [smem:$0x3FDB];
	_ =	sdelay $0x1  }
0x99: {  	s4 =	simm.s32 $_scs_section_size  }
0x9a: {  	s5 =	simm.s32 $_size__tile_overlayer_lowered;
	s6 =	simm.s32 $_tile_overlayer_lowered  }
0x9b: {  	s22 =	simm.s32 $0x1BFF;
	s21 =	sshll.u32 s6, $0x1;
	s3 =	sadd.s32 s4, s19  }
0x9c: {  	s7 =	simm.s32 $0x0;
	s20 =	sshll.u32 s5, $0x1;
	s5 =	sadd.s32 s21, s3  }
0x9d: {  	[timem:s7], [sflag:s22] =	dma.local [hbm:s5], s20  }
0x9e: {  	_ =	swait.ge [sflag:s22], s20  }
0x9f: {  	s4 =	ssub.s32 $0x0, s20;
	[sflag:s22] =	ssyncset.done $0x0  }
0xa0: {  	[sflag:s22] =	ssyncadd.s32 s4;
	_ =	sdelay $0x1  }
0xa1: {  	s23 =	simm.s32 $0x1B8B  }
0xa2: {  	_ =	swait.ge [sflag:s23], $0x1  }
0xa3: {  	[sflag:s23] =	ssyncset.done $0x0  }
0xa4: {  	s25 =	simm.s32 $0x1B8E;
	s24 =	sld [smem:$0x3FFE];
	[sflag:s23] =	ssyncadd.s32 $0xFFFFFFFF  }
0xa5: {  	s26 =	simm.s32 $execute0_lowered;
	[smem:$0x3FD2] =	sst s25  }
0xa6: {  	s5 =	sshll.u32 s26, $0x1;
	_ =	strace $0x80000046;
	[dreg:$0x1] =	wrdreg $0xFFFFFFFF  }
0xa7: {  	s28 =	simm.s32 $_size_execute0_lowered;
	s3 =	sadd.s32 s3, s5;
	[dreg:$0x0] =	wrdreg $0x0  }
0xa8: {  	s5 =	sshll.u32 s28, $0x1;
	[dreg:$0x2] =	wrdreg s3  }
0xa9: {  	[dreg:$0x3] =	wrdreg s5  }
0xaa: {  	[dreg:$0x4] =	wrdreg $0xC0  }
0xab: {  	_ =	task [dreg:s7], $0x5FFFF  }
0xac: {  	[dreg:$0x1] =	wrdreg $0xFFFFFFFF  }
0xad: {  	[dreg:$0x0] =	wrdreg $0x60  }
0xae: {  	[dreg:$0x2] =	wrdreg s2  }
0xaf: {  	[dreg:$0x3] =	wrdreg s24  }
0xb0: {  	[dreg:$0x4] =	wrdreg $0x9  }
0xb1: {  	_ =	task.clear_ibuf [dreg:s7], $0x5FFFF;
	_ =	strace $0x90000046  }
0xb2: {  	s29 =	simm.s32 $0x9;
	_ =	strace $0x80000048  }
0xb3: {  	_ =	swait.ge [sflag:s29], $0x1  }
0xb4: {  	[sflag:s29] =	ssyncadd.s32 $0xFFFFFFFF  }
0xb5: {  	_ =	strace $0x90000048  }
0xb6: {  	_ =	sfence  }
0xb7: {  	s30 =	sld [smem:$0x0];
	_ =	sdelay $0x2  }
0xb8: {  	s31 =	sshll.u32 s1, $0xD;
	s1 =	sshrl.u32 s1, $0x2  }
0xb9: {  	s3 =	sand.u32 $0x4000, s31;
	s1 =	sadd.s32 s1, s30  }
0xba: {  	s0 =	sor.u32 s3, s0;
	s1 =	sshll.u32 s1, $0x11  }
0xbb: {  	s0 =	sor.u32 s1, s0  }
0xbc: {  	s0 =	sadd.s32 $0x8F2B, s0  }
0xbd: {  	[sflag:s0] =	ssyncadd.remote.s32 $0x1  }
0xbe: {  	_ =	sfence.sel $0xFFFF  }
0xbf: {  	[dreg:$0x0] =	wrdreg $0xFFFFFFFF;
	(pc) =	sbr.abs _section_cstart, $3  }
0xc0: {  	[dreg:$0x1] =	wrdreg $0xFFFFFFFF  }
0xc1: {  	_ =	task.clear_ibuf [dreg:s7], $0x2FFFF;
	_ =	strace $0x9FFFFFFF  }
0xc2: {  	(tm) =	ssettm $0x7FFFFFFF  }
0xc3: {  	_ =	shalt  }
tec
execute0_lowered:
.L_overlay_start_1:
0x0: {  	(tag) =	ssettag $0x1  }
0x1: {  	s6 =	rddreg [dreg:$0x0]  }
0x2: {  	s5 =	rddreg [dreg:$0x1]  }
0x3: {  	s2 =	simm.s32 $0x0;
	s3 =	srdreg.scid;
	s0 =	stileid.u32  }
0x4: {  	s10 =	simm.s32 $0x8000;
	s11 =	simm.s32 $0x1800;
	s12 =	simm.s32 $0x3  }
0x5: {  	s13 =	simm.s32 $0x40;
	s14 =	simm.s32 $0x1C00;
	s15 =	simm.s32 $0x3C00  }
0x6: {  	s16 =	simm.s32 $0x80;
	s17 =	simm.s32 $0x5C00;
	s18 =	simm.s32 $0xC0  }
0x7: {  	s19 =	simm.s32 $0x7C00;
	s20 =	simm.s32 $0x100;
	s21 =	simm.s32 $0x9C00  }
0x8: {  	s22 =	simm.s32 $0x1;
	s23 =	simm.s32 $0x2;
	s24 =	simm.s32 $0x0  }
.Ltmp0:
0x9: {  	[smem:$0x7FF] =	sst s2;
	s3 =	sand.u32 $0x1, s3;
	(pc) =	sbr.rel .LBB2_1-.Ltmp0, $4  }
0xa: {  	s4 =	sshll.u32 s0, $0x8;
	s7 =	ssub.s32 $0x2, s3;
	s8 =	sshll.u32 s3, $0x7  }
0xb: {  	_ =	strace $0x80000047;
	s9 =	sshrl.u32 s7, $0x1;
	s4 =	sor.u32 s8, s4  }
0xc: {  	s3 =	sadd.s32 $0xF42C00, s5;
	s31 =	ssub.s32 s7, s9;
	s6 =	sadd.s32 s6, s4  }
0xd: {  	s5 =	sadd.s32 $0x800, s5;
	s7 =	sadd.s32 $0x6000, s6;
	s8 =	smax.u32 s31, $0x1  }
.LBB2_5:
0xe: {  	_ =	swait.ge [sflag:s23], $0x2000  }
0xf: {  	[sflag:s23] =	ssyncset.done $0x0  }
0x10: {  	[sflag:s23] =	ssyncadd.s32 $0xFFFFE000  }
0x11: {  	_ =	swait.ge [sflag:s23], $0x2000  }
0x12: {  	[sflag:s23] =	ssyncset.done $0x0  }
0x13: {  	[sflag:s23] =	ssyncadd.s32 $0xFFFFE000  }
0x14: {  	_ =	swait.ge [sflag:s23], $0x2000  }
0x15: {  	[sflag:s23] =	ssyncset.done $0x0  }
0x16: {  	s24 =	sadd.s32 $0x1, s24;
	[sflag:s23] =	ssyncadd.s32 $0xFFFFE000  }
0x17: {  	p0 =	sne.s32 s24, s8;
	_ =	swait.ge [sflag:s23], $0x2000  }
.Ltmp1:
0x18: {  	[sflag:s23] =	ssyncset.done $0x0;
	(pc) =	sbr.rel @!p0 .LBB2_6-.Ltmp1, $4  }
0x19: {  	[sflag:s23] =	ssyncadd.s32 $0xFFFFE000  }
0x1a: {  	_ =	swait.ge [sflag:s23], $0x2000  }
0x1b: {  	[sflag:s23] =	ssyncset.done $0x0  }
0x1c: {  	[sflag:s23] =	ssyncadd.s32 $0xFFFFE000  }
.LBB2_1:
0x1d: {  	s0 =	simm.s32 $0x400  }
0x1e: {  	[tilespmem:s2], [sflag:$0x3] =	stream.strided.gather [hbm4b:s6+s0], $0x1800, s10, s0, $0x38;
	[tilespmem:$0x15C00] =	vst v63  }
0x1f: {  	_ = 	snop  }
0x20: {  	[tilespmem:s11], [sflag:$0x3] =	stream.linear.gather [hbm4b:s7+s2], $0x100, $0x38;
	[tilespmem:$0x15C00] =	vst v63  }
0x21: {  	_ =	swait.ge [sflag:s12], $0x1900  }
0x22: {  	[sflag:s12] =	ssyncset.done $0x0  }
0x23: {  	[sflag:s12] =	ssyncadd.s32 $0xFFFFE700  }
0x24: {  	[tilespmem:s14], [sflag:$0x1] =	stream.indirect.gather [hbm4b:s3+s13], $0x80, s2, s13, $0xb8;
	[tilespmem:$0x15C00] =	vst v63  }
0x25: {  	_ = 	snop  }
0x26: {  	[tilespmem:s15], [sflag:$0x1] =	stream.indirect.gather [hbm4b:s3+s13], $0x80, s13, s13, $0xb8;
	[tilespmem:$0x15C00] =	vst v63  }
0x27: {  	_ = 	snop  }
0x28: {  	[tilespmem:s17], [sflag:$0x1] =	stream.indirect.gather [hbm4b:s3+s13], $0x80, s16, s13, $0xb8;
	[tilespmem:$0x15C00] =	vst v63  }
.Ltmp2:
0x29: {  	_ = 	snop;
	(pc) =	sbr.rel .LBB2_2-.Ltmp2, $4  }
0x2a: {  	_ = 	snop  }
0x2b: {  	[tilespmem:s19], [sflag:$0x1] =	stream.indirect.gather [hbm4b:s3+s13], $0x80, s18, s13, $0xb8;
	[tilespmem:$0x15C00] =	vst v63  }
0x2c: {  	s26 =	simm.s32 $0x0  }
0x2d: {  	[tilespmem:s21], [sflag:$0x1] =	stream.indirect.gather [hbm4b:s3+s13], $0x80, s20, s13, $0xb8;
	[tilespmem:$0x15C00] =	vst v63  }
.LBB2_4:
0x2e: {  	s0 =	smul.u32 $0x2800, s26  }
0x2f: {  	s1 =	sshll.u32 s26, $0x6  }
0x30: {  	s1 =	sand.u32 $0x40, s1;
	s9 =	sand.u32 $0x7F000, s0  }
0x31: {  	s28 =	smul.u32 $0x28000, s28;
	s9 =	sor.u32 s1, s9  }
0x32: {  	s26 =	smul.u32 $0x5, s26;
	s9 =	sor.u32 s4, s9  }
0x33: {  	s28 =	sshrl.u32 s28, $0x2;
	s9 =	sshll.u32 s9, $0x4  }
0x34: {  	s31 =	sadd.s32 $0x1, s26;
	s29 =	sor.u32 $0x1C00, s28;
	s9 =	sadd.s32 s5, s9  }
0x35: {  	[hbm4b:s9+s2] =	stream.linear.scatter [tilespmem:s29], [sflag:$0x2], $0x2000, $0x38;
	[tilespmem:$0x15C00] =	vst v63  }
0x36: {  	s30 =	sshll.u32 s31, $0x6;
	s9 =	sshll.u32 s31, $0xB  }
0x37: {  	s29 =	sand.u32 $0x40, s30;
	s9 =	sand.u32 $0xFF000, s9  }
0x38: {  	s9 =	sor.u32 s29, s9  }
0x39: {  	s9 =	sor.u32 s4, s9  }
0x3a: {  	s9 =	sshll.u32 s9, $0x4  }
0x3b: {  	s31 =	sadd.s32 $0x3C00, s28;
	s30 =	sadd.s32 $0x1000, s0;
	s9 =	sadd.s32 s5, s9  }
0x3c: {  	[hbm4b:s9+s2] =	stream.linear.scatter [tilespmem:s31], [sflag:$0x2], $0x2000, $0x38;
	[tilespmem:$0x15C00] =	vst v63  }
0x3d: {  	s9 =	sand.u32 $0xFF000, s30  }
0x3e: {  	s9 =	sor.u32 s9, s1  }
0x3f: {  	s9 =	sor.u32 s4, s9  }
0x40: {  	s9 =	sshll.u32 s9, $0x4  }
0x41: {  	s29 =	sadd.s32 $0x3, s26;
	s31 =	sadd.s32 $0x5C00, s28;
	s9 =	sadd.s32 s5, s9  }
0x42: {  	[hbm4b:s9+s2] =	stream.linear.scatter [tilespmem:s31], [sflag:$0x2], $0x2000, $0x38;
	[tilespmem:$0x15C00] =	vst v63  }
0x43: {  	s26 =	sshll.u32 s29, $0x6;
	s9 =	sshll.u32 s29, $0xB  }
0x44: {  	s0 =	sadd.s32 $0x2000, s0;
	s26 =	sand.u32 $0x40, s26;
	s9 =	sand.u32 $0xFF000, s9  }
0x45: {  	s0 =	sand.u32 $0xFF000, s0;
	s9 =	sor.u32 s26, s9  }
0x46: {  	p0 =	slt.u32 s25, $0x14;
	s0 =	sor.u32 s0, s1;
	s9 =	sor.u32 s4, s9  }
.Ltmp3:
0x47: {  	s0 =	sor.u32 s4, s0;
	s9 =	sshll.u32 s9, $0x4;
	(pc) =	sbr.rel @!p0 .LBB2_5-.Ltmp3, $4  }
0x48: {  	s0 =	sshll.u32 s0, $0x4;
	s30 =	sadd.s32 $0x7C00, s28;
	s9 =	sadd.s32 s5, s9  }
0x49: {  	[hbm4b:s9+s2] =	stream.linear.scatter [tilespmem:s30], [sflag:$0x2], $0x2000, $0x38;
	[tilespmem:$0x15C00] =	vst v63  }
0x4a: {  	s0 =	sadd.s32 s5, s0;
	s31 =	sadd.s32 $0x9C00, s28;
	s26 =	smov.u32 s25  }
0x4b: {  	[hbm4b:s0+s2] =	stream.linear.scatter [tilespmem:s31], [sflag:$0x2], $0x2000, $0x38;
	[tilespmem:$0x15C00] =	vst v63  }
.LBB2_2:
0x4c: {  	_ =	swait.ge [sflag:s22], $0x2000  }
0x4d: {  	[sflag:s22] =	ssyncset.done $0x0  }
0x4e: {  	[sflag:s22] =	ssyncadd.s32 $0xFFFFE000  }
0x4f: {  	_ =	swait.ge [sflag:s22], $0x2000  }
0x50: {  	[sflag:s22] =	ssyncset.done $0x0  }
0x51: {  	[sflag:s22] =	ssyncadd.s32 $0xFFFFE000  }
0x52: {  	_ =	swait.ge [sflag:s22], $0x2000  }
0x53: {  	[sflag:s22] =	ssyncset.done $0x0  }
0x54: {  	[sflag:s22] =	ssyncadd.s32 $0xFFFFE000  }
0x55: {  	_ =	swait.ge [sflag:s22], $0x2000  }
0x56: {  	[sflag:s22] =	ssyncset.done $0x0  }
0x57: {  	[sflag:s22] =	ssyncadd.s32 $0xFFFFE000  }
0x58: {  	_ =	swait.ge [sflag:s22], $0x2000  }
0x59: {  	p0 =	seq.s32 s26, $0x0;
	[sflag:s22] =	ssyncset.done $0x0  }
0x5a: {  	s25 =	simm.s32 @!p0 $0x2;
	[sflag:s22] =	ssyncadd.s32 $0xFFFFE000  }
0x5b: {  	_ =	swait.ge @!p0 [sflag:s25], $0x2000  }
0x5c: {  	[sflag:s25] =	ssyncset.done @!p0 $0x0  }
0x5d: {  	[sflag:s25] =	ssyncadd.s32 @!p0 $0xFFFFE000  }
0x5e: {  	_ =	swait.ge @!p0 [sflag:s25], $0x2000  }
0x5f: {  	[sflag:s25] =	ssyncset.done @!p0 $0x0  }
0x60: {  	[sflag:s25] =	ssyncadd.s32 @!p0 $0xFFFFE000  }
0x61: {  	_ =	swait.ge @!p0 [sflag:s25], $0x2000  }
0x62: {  	[sflag:s25] =	ssyncset.done @!p0 $0x0  }
0x63: {  	p1 =	seq.s32 @!p0 s26, $0x13;
	[sflag:s25] =	ssyncadd.s32 @!p0 $0xFFFFE000  }
0x64: {  	p1 =	por p0, !p1;
	_ =	swait.ge @!p0 [sflag:s25], $0x2000  }
.Ltmp4:
0x65: {  	[sflag:s25] =	ssyncset.done @!p0 $0x0;
	(pc) =	sbr.rel @!p1 .LBB2_4-.Ltmp4, $4  }
0x66: {  	[sflag:s25] =	ssyncadd.s32 @!p0 $0xFFFFE000  }
0x67: {  	_ =	swait.ge @!p0 [sflag:s25], $0x2000  }
0x68: {  	[sflag:s25] =	ssyncset.done @!p0 $0x0  }
0x69: {  	s28 =	sand.u32 $0x1, s26;
	[sflag:s25] =	ssyncadd.s32 @!p0 $0xFFFFE000;
	s25 =	simm.s32 @!p0 $0x14  }
0x6a: {  	s25 =	sadd.s32 @!p0 $0x1, s26  }
0x6b: {  	s25 =	simm.s32 @p0 $0x1  }
0x6c: {  	s29 =	smul.u32 $0x500, s25  }
0x6d: {  	s30 =	smul.u32 $0xFFFD8000, s28  }
0x6e: {  	s31 =	sshll.u32 s25, $0x6;
	s0 =	sand.u32 $0x1FE00, s29  }
0x6f: {  	s30 =	sshra.s32 s30, $0x2;
	s31 =	sand.u32 $0x40, s31;
	s0 =	sshrl.u32 s0, $0x2  }
0x70: {  	s9 =	smul.u32 $0x140, s25;
	s1 =	sadd.s32 $0xBC00, s30;
	s0 =	sor.u32 s31, s0  }
0x71: {  	[tilespmem:s1], [sflag:$0x1] =	stream.indirect.gather [hbm4b:s3+s13], $0x80, s0, s13, $0xb8;
	[tilespmem:$0x15C00] =	vst v63  }
0x72: {  	s0 =	sadd.s32 $0x40, s9  }
0x73: {  	s1 =	sadd.s32 $0xDC00, s30;
	s0 =	sand.u32 $0xFFC0, s0  }
0x74: {  	[tilespmem:s1], [sflag:$0x1] =	stream.indirect.gather [hbm4b:s3+s13], $0x80, s0, s13, $0xb8;
	[tilespmem:$0x15C00] =	vst v63  }
0x75: {  	s1 =	sadd.s32 $0x200, s29  }
0x76: {  	s0 =	sand.u32 $0x3FE00, s1  }
0x77: {  	s0 =	sshrl.u32 s0, $0x2  }
0x78: {  	s1 =	sadd.s32 $0xFC00, s30;
	s0 =	sor.u32 s31, s0  }
0x79: {  	[tilespmem:s1], [sflag:$0x1] =	stream.indirect.gather [hbm4b:s3+s13], $0x80, s0, s13, $0xb8;
	[tilespmem:$0x15C00] =	vst v63  }
0x7a: {  	s1 =	sadd.s32 $0xC0, s9  }
0x7b: {  	s9 =	sadd.s32 $0x11C00, s30;
	s0 =	sand.u32 $0xFFC0, s1  }
0x7c: {  	[tilespmem:s9], [sflag:$0x1] =	stream.indirect.gather [hbm4b:s3+s13], $0x80, s0, s13, $0xb8;
	[tilespmem:$0x15C00] =	vst v63  }
.Ltmp5:
0x7d: {  	s29 =	sadd.s32 $0x400, s29;
	(pc) =	sbr.rel .LBB2_4-.Ltmp5, $4  }
0x7e: {  	s0 =	sand.u32 $0x3FE00, s29  }
0x7f: {  	s0 =	sshrl.u32 s0, $0x2  }
0x80: {  	s30 =	sadd.s32 $0x13C00, s30;
	s0 =	sor.u32 s31, s0  }
0x81: {  	[tilespmem:s30], [sflag:$0x1] =	stream.indirect.gather [hbm4b:s3+s13], $0x80, s0, s13, $0xb8;
	[tilespmem:$0x15C00] =	vst v63  }
.LBB2_6:
0x82: {  	_ =	sfence.sel $0x180000  }
0x83: {  	[bflag:$0x0] =	sbarrier.arrive $0xFFFF  }
0x84: {  	_ =	strace $0x90000047  }
0x85: {  	s0 =	stileid.u32;
	[bflag:$0x2] =	sbarrier.arrive $0xFFFF  }
0x86: {  	p0 =	sne.s32 s0, $0x0;
	s0 =	rddreg [dreg:$0x2]  }
0x87: {  	s0 =	sadd.s32 @!p0 $0x100000, s0  }
0x88: {  	[sflag:s0] =	ssyncadd.tile.s32 @!p0 $0x1;
	_ =	shalt  }
.Lfunc_end2:
_tile_overlayer_lowered:
.L_overlay_start_2:
0x89: {  	(tag) =	ssettag $0x2  }
0x8a: {  	s0 =	rddreg [dreg:$0x0];
	s2 =	stileid.u32  }
0x8b: {  	s1 =	rddreg [dreg:$0x1];
	p0 =	sne.s32 s2, $0x0  }
0x8c: {  	s3 =	rddreg [dreg:$0x2];
	[bflag:$0x3] =	sbarrier.arrive $0xFFFF;
	s2 =	simm.s32 @!p0 $0x1C03  }
0x8d: {  	[timem:s3], [sflag:s2] =	dma.local @!p0 [hbm:s0], s1  }
0x8e: {  	s0 =	simm.s32 @!p0 $0x3  }
0x8f: {  	_ =	swait.ge @!p0 [sflag:s0], s1  }
0x90: {  	s1 =	ssub.s32 @!p0 $0x0, s1;
	[sflag:s0] =	ssyncset.done @!p0 $0x0  }
0x91: {  	[sflag:s0] =	ssyncadd.s32 @!p0 s1  }
0x92: {  	[bflag:$0x3] =	sbarrier.arrive $0xFFFF  }
0x93: {  	_ =	shalt  }

// kernel: sparse-core-data-format-call.cloned.1.call-start
scs
called_computation_lowered:
.L_overlay_start_0:
0x0: {  	s2 =	sld [smem:$0x3FD9]  }
0x1: {  	s3 =	sld [smem:$0x3FFE];
	_ =	sdelay $0x1  }
0x2: {  	s1 =	srdreg.scid  }
0x3: {  	s0 =	sand.u32 $0x1, s1  }
0x4: {  	s18 =	sshll.u32 s0, $0xA;
	s2 =	sadd.s32 s3, s2  }
0x5: {  	s2 =	sadd.s32 s2, s18  }
0x6: {  	[smem:$0x3FC6] =	sst s2  }
0x7: {  	_ = 	snop  }
0x8: {  	s2 =	sld [smem:$0x3FD0];
	(tm) =	ssettm $0x1  }
0x9: {  	s19 =	sld [smem:$0x3FFB];
	_ =	sdelay $0x3  }
0xa: {  	_ =	strace s19  }
0xb: {  	s3 =	sld [smem:$0x3FFC];
	_ =	sdelay $0x3  }
0xc: {  	_ =	strace s3  }
0xd: {  	s3 =	sld [smem:$0x3FFD];
	_ =	sdelay $0x3  }
0xe: {  	_ =	strace s3  }
0xf: {  	_ =	strace $0x8FFFFFFF  }
0x10: {  	s20 =	sld [smem:$0x3FDB];
	_ =	sdelay $0x1  }
0x11: {  	s4 =	simm.s32 $_scs_section_size  }
0x12: {  	s5 =	simm.s32 $_size__tile_overlayer_lowered;
	s6 =	simm.s32 $_tile_overlayer_lowered  }
0x13: {  	s23 =	simm.s32 $0x1BFF;
	s22 =	sshll.u32 s6, $0x1;
	s3 =	sadd.s32 s4, s20  }
0x14: {  	s7 =	simm.s32 $0x0;
	s21 =	sshll.u32 s5, $0x1;
	s5 =	sadd.s32 s22, s3  }
0x15: {  	[timem:s7], [sflag:s23] =	dma.local [hbm:s5], s21  }
0x16: {  	_ =	swait.ge [sflag:s23], s21  }
0x17: {  	s4 =	ssub.s32 $0x0, s21;
	[sflag:s23] =	ssyncset.done $0x0  }
0x18: {  	[sflag:s23] =	ssyncadd.s32 s4;
	_ =	sdelay $0x1  }
0x19: {  	s24 =	simm.s32 $0x1B8B  }
0x1a: {  	_ =	swait.ge [sflag:s24], $0x1  }
0x1b: {  	[sflag:s24] =	ssyncset.done $0x0  }
0x1c: {  	s26 =	simm.s32 $0x1B8E;
	s25 =	sld [smem:$0x3FFE];
	[sflag:s24] =	ssyncadd.s32 $0xFFFFFFFF  }
0x1d: {  	s27 =	simm.s32 $execute0_lowered;
	[smem:$0x3FD2] =	sst s26  }
0x1e: {  	s5 =	sshll.u32 s27, $0x1;
	_ =	strace $0x80000049;
	[dreg:$0x1] =	wrdreg $0xFFFFFFFF  }
0x1f: {  	s28 =	simm.s32 $_size_execute0_lowered;
	s3 =	sadd.s32 s3, s5;
	[dreg:$0x0] =	wrdreg $0x0  }
0x20: {  	s5 =	sshll.u32 s28, $0x1;
	[dreg:$0x2] =	wrdreg s3  }
0x21: {  	[dreg:$0x3] =	wrdreg s5  }
0x22: {  	[dreg:$0x4] =	wrdreg $0xC0  }
0x23: {  	_ =	task [dreg:s7], $0x5FFFF  }
0x24: {  	[dreg:$0x1] =	wrdreg $0xFFFFFFFF  }
0x25: {  	[dreg:$0x0] =	wrdreg $0x60  }
0x26: {  	[dreg:$0x2] =	wrdreg s25  }
0x27: {  	[dreg:$0x3] =	wrdreg s2  }
0x28: {  	[dreg:$0x4] =	wrdreg $0x9  }
0x29: {  	_ =	task.clear_ibuf [dreg:s7], $0x5FFFF;
	_ =	strace $0x90000049  }
0x2a: {  	s29 =	simm.s32 $0x9;
	_ =	strace $0x8000004B  }
0x2b: {  	_ =	swait.ge [sflag:s29], $0x1  }
0x2c: {  	[sflag:s29] =	ssyncadd.s32 $0xFFFFFFFF  }
0x2d: {  	_ =	strace $0x9000004B  }
0x2e: {  	_ =	sfence  }
0x2f: {  	s30 =	sld [smem:$0x0];
	_ =	sdelay $0x2  }
0x30: {  	s31 =	sshll.u32 s1, $0xD;
	s1 =	sshrl.u32 s1, $0x2  }
0x31: {  	s3 =	sand.u32 $0x4000, s31;
	s1 =	sadd.s32 s1, s30  }
0x32: {  	s0 =	sor.u32 s3, s0;
	s1 =	sshll.u32 s1, $0x11  }
0x33: {  	s0 =	sor.u32 s1, s0  }
0x34: {  	s0 =	sadd.s32 $0x8F2B, s0  }
0x35: {  	[sflag:s0] =	ssyncadd.remote.s32 $0x1  }
0x36: {  	_ =	sfence.sel $0xFFFF  }
0x37: {  	[dreg:$0x0] =	wrdreg $0xFFFFFFFF;
	(pc) =	sbr.abs _section_cstart, $3  }
0x38: {  	[dreg:$0x1] =	wrdreg $0xFFFFFFFF  }
0x39: {  	_ =	task.clear_ibuf [dreg:s7], $0x2FFFF;
	_ =	strace $0x9FFFFFFF  }
0x3a: {  	(tm) =	ssettm $0x7FFFFFFF  }
0x3b: {  	_ =	shalt  }
tec
execute0_lowered:
.L_overlay_start_1:
0x0: {  	(tag) =	ssettag $0x1  }
0x1: {  	s0 =	srdreg.scid  }
0x2: {  	s1 =	sshll.u32 s0, $0x4  }
0x3: {  	s5 =	rddreg [dreg:$0x0];
	s0 =	stileid.u32;
	s1 =	sand.u32 $0x10, s1  }
0x4: {  	s3 =	rddreg [dreg:$0x1];
	s31 =	simm.s32 $0x2;
	s4 =	sor.u32 s0, s1  }
0x5: {  	s13 =	simm.s32 $0x0;
	s9 =	simm.s32 $0x400;
	s2 =	sshll.u32 s4, $0x7  }
0x6: {  	s10 =	simm.s32 $0x8000;
	s14 =	simm.s32 $0x0;
	s6 =	ssub.s32 $0x1000, s2  }
0x7: {  	s1 =	rddreg [dreg:$0x2];
	_ =	strace $0x8000004A;
	s7 =	sand.u32 $0xF80, s6  }
0x8: {  	s4 =	sshll.u32 s4, $0xB;
	p0 =	sne.s32 s7, $0x0;
	s7 =	simm.s32 $0x1  }
.Ltmp0:
0x9: {  	s6 =	sshrl.u32 s6, $0xC;
	s7 =	simm.s32 @!p0 $0x0;
	(pc) =	sbr.rel .LBB1_1-.Ltmp0, $4  }
0xa: {  	s8 =	sadd.s32 s4, s5;
	s4 =	simm.s32 $0x1;
	s30 =	sadd.s32 s7, s6  }
0xb: {  	s11 =	simm.s32 $0x0;
	[sflag:s4] =	ssyncpa.u1 $0x0;
	s5 =	smul.u32 $0x19, s30  }
0xc: {  	s12 =	simm.s32 $0x0;
	[sflag:s31] =	ssyncpa.u1 $0x0;
	p0 =	por $0x0, $0x0  }
0xd: {  	s6 =	sadd.s32 $0x800, s8;
	s7 =	sadd.s32 $0x10800, s8;
	s8 =	sadd.s32 $0x1, s5  }
.LBB1_7:
0xe: {  	s15 =	sadd.s32 $0x2, s11  }
0xf: {  	p2 =	sgt.s32 s15, $0x31  }
0x10: {  	s15 =	simm.s32 @p2 $0x0;
	p2 =	sne.s32 s12, s8  }
.Ltmp1:
0x11: {  	p1 =	slt.u32 s12, $0x2;
	(pc) =	sbr.rel @!p2 .LBB1_8-.Ltmp1, $4  }
0x12: {  	s13 =	simm.s32 @!p1 $0x2  }
0x13: {  	s16 =	sadd.s32 $0x1, s12;
	s14 =	smov.u32 s11;
	_ =	swait.ge @!p1 [sflag:s13], $0x4000  }
0x14: {  	p0 =	por !p0, !p0;
	s12 =	smov.u32 s16;
	[sflag:s13] =	ssyncset.done @!p1 $0x0  }
0x15: {  	s11 =	smov.u32 s15;
	[sflag:s13] =	ssyncadd.s32 @!p1 $0xFFFFC000;
	s13 =	smov.u32 s2  }
.LBB1_1:
0x16: {  	p1 =	sge.u32 s12, s5  }
0x17: {  	s15 =	sxor.u32 @!p1 $0xFFFFFFFF, s12  }
0x18: {  	s16 =	sshll.u32 @!p1 s11, $0x10;
	s18 =	simm.s32 @!p1 $0x40;
	s15 =	sshll.u32 @!p1 s15, $0xE  }
0x19: {  	s19 =	simm.s32 @!p1 $0x80;
	s17 =	sadd.s32 @!p1 s16, s6;
	s15 =	sand.u32 @!p1 $0x4000, s15  }
0x1a: {  	[tilespmem:s15], [sflag:$0x1] =	stream.strided.gather @!p1 [hbm4b:s17+s18], $0x2000, s19, s18, $0x38;
	[tilespmem:$0x10100] =	vst v63  }
0x1b: {  	s31 =	sadd.s32 $0xFFFFFFFF, s12;
	s16 =	sadd.s32 @!p1 s16, s7;
	s15 =	sor.u32 @!p1 $0x2000, s15  }
0x1c: {  	[tilespmem:s15], [sflag:$0x1] =	stream.strided.gather @!p1 [hbm4b:s16+s18], $0x2000, s19, s18, $0x38;
	[tilespmem:$0x10100] =	vst v63  }
0x1d: {  	p1 =	sge.u32 s31, s5  }
.Ltmp2:
0x1e: {  	_ = 	snop;
	(pc) =	sbr.rel @p1 .LBB1_7-.Ltmp2, $1  }
0x1f: {  	_ =	sdelay $0x3  }
0x20: {  	s15 =	simm.s32 $0x1;
	s17 =	sand.u32 $0x1, s12  }
0x21: {  	_ =	swait.ge [sflag:s4], $0x4000;
	s15 =	simm.s32 @!p0 $0x0;
	s17 =	smul.u32 $0x10200, s17  }
0x22: {  	p2 =	por $0x1, $0x1;
	[sflag:s4] =	ssyncset.done $0x0;
	s16 =	smul.u32 $0x10200, s15  }
0x23: {  	s18 =	sshll.u32 s15, $0x10;
	[sflag:s4] =	ssyncadd.s32 $0xFFFFC000;
	s30 =	sshrl.u32 s17, $0x2  }
0x24: {  	s31 =	sshrl.u32 s18, $0x2;
	s18 =	simm.s32 $0x0;
	s16 =	sshrl.u32 s16, $0x2  }
0x25: {  	s15 =	sor.u32 $0x8000, s30;
	s17 =	sadd.s32 $0x20, s31;
	s16 =	sor.u32 $0x8000, s16  }
.LBB1_3:
0x26: {  	s19 =	sshll.u32 s18, $0xD  }
0x27: {  	s19 =	sand.u32 $0x3FFFE000, s19  }
0x28: {  	s21 =	sadd.s32 s19, s17  }
0x29: {  	s31 =	smul.u32 $0x8100, s18;
	v3 =	vld [tilespmem:s21+$0x10]  }
0x2a: {  	v1 =	vld [tilespmem:s21+$0xFFFFFFF0]  }
0x2b: {  	s18 =	sshra.s32 s31, $0x2;
	v0 =	vld [tilespmem:s21+$0x0]  }
0x2c: {  	s18 =	sadd.s32 s18, s16;
	v2 =	vld [tilespmem:s21+$0xFFFFFFE0]  }
0x2d: {  	s19 =	sadd.s32 $0x0, s18  }
0x2e: {  	p1 =	por p2, p2;
	s20 =	simm.s32 $0x4;
	s21 =	sadd.s32 $0x40, s21;
	[tilespmem:s19+$0x1830 ss:$0x81] =	vst.msk $0xffff, v3  }
.LBB1_4:
0x2f: {  	v3 =	vld [tilespmem:s21+$0x10];
	p2 =	sne.s32 s20, $0x1FC;
	[tilespmem:s19+$0x810 ss:$0x81] =	vst.msk $0xffff, v1;
	s22 =	smov.u32 s20;
	s20 =	sadd.s32 $0x4, s20  }
.Ltmp3:
0x30: {  	v1 =	vld [tilespmem:s21+$0xFFFFFFF0];
	[tilespmem:s19+$0x1020 ss:$0x81] =	vst.msk $0xffff, v0;
	(pc) =	sbr.rel @p2 .LBB1_4-.Ltmp3, $4  }
0x31: {  	v0 =	vld [tilespmem:s21+$0x0];
	[tilespmem:s19+$0x0 ss:$0x81] =	vst.msk $0xffff, v2  }
0x32: {  	s19 =	sshra.s32 s22, $0x2;
	v2 =	vld [tilespmem:s21+$0xFFFFFFE0]  }
0x33: {  	s19 =	sadd.s32 s19, s18  }
0x34: {  	s21 =	sadd.s32 $0x40, s21;
	[tilespmem:s19+$0x1830 ss:$0x81] =	vst.msk $0xffff, v3  }
.Ltmp4:
0x35: {  	(pc) =	sbr.rel @p1 .LBB1_3-.Ltmp4, $4  }
0x36: {  	_ = 	snop  }
0x37: {  	[tilespmem:s19+$0x810 ss:$0x81] =	vst.msk $0xffff, v1  }
0x38: {  	[tilespmem:s19+$0x1020 ss:$0x81] =	vst.msk $0xffff, v0  }
0x39: {  	s18 =	simm.s32 $0x1;
	p2 =	por $0x0, $0x0;
	[tilespmem:s19+$0x0 ss:$0x81] =	vst.msk $0xffff, v2  }
.Ltmp5:
0x3a: {  	(pc) =	sbr.rel .LBB1_7-.Ltmp5, $4  }
0x3b: {  	s14 =	sshll.u32 s14, $0xF  }
0x3c: {  	s14 =	sadd.s32 s3, s14  }
0x3d: {  	s13 =	sadd.s32 s13, s14  }
0x3e: {  	[hbm4b:s13+s9] =	stream.strided.scatter [tilespmem:s15], [sflag:$0x2], $0x4000, s10, s9, $0x20;
	[tilespmem:$0x10100] =	vst v63  }
.LBB1_8:
0x3f: {  	_ =	sfence.sel $0x180000  }
0x40: {  	s2 =	simm.s32 $0x1;
	[bflag:$0x0] =	sbarrier.arrive $0xFFFF  }
0x41: {  	s31 =	simm.s32 $0x2;
	[sflag:s2] =	ssyncpa.u1 $0x1  }
0x42: {  	[sflag:s31] =	ssyncpa.u1 $0x1  }
0x43: {  	p0 =	sne.s32 s0, $0x0;
	_ =	strace $0x9000004A  }
0x44: {  	s0 =	sadd.s32 @!p0 $0x100000, s1;
	[bflag:$0x2] =	sbarrier.arrive $0xFFFF  }
0x45: {  	[sflag:s0] =	ssyncadd.tile.s32 @!p0 $0x1;
	_ =	shalt  }
.Lfunc_end1:
_tile_overlayer_lowered:
.L_overlay_start_2:
0x46: {  	(tag) =	ssettag $0x2  }
0x47: {  	s0 =	rddreg [dreg:$0x0];
	s2 =	stileid.u32  }
0x48: {  	s1 =	rddreg [dreg:$0x1];
	p0 =	sne.s32 s2, $0x0  }
0x49: {  	s3 =	rddreg [dreg:$0x2];
	[bflag:$0x3] =	sbarrier.arrive $0xFFFF;
	s2 =	simm.s32 @!p0 $0x1C01  }
0x4a: {  	[timem:s3], [sflag:s2] =	dma.local @!p0 [hbm:s0], s1  }
0x4b: {  	s0 =	simm.s32 @!p0 $0x1  }
0x4c: {  	_ =	swait.ge @!p0 [sflag:s0], s1  }
0x4d: {  	s1 =	ssub.s32 @!p0 $0x0, s1;
	[sflag:s0] =	ssyncset.done @!p0 $0x0  }
0x4e: {  	[sflag:s0] =	ssyncadd.s32 @!p0 s1  }
0x4f: {  	[bflag:$0x3] =	sbarrier.arrive $0xFFFF  }
0x50: {  	_ =	shalt  }

</sc_bundles>
